<compile_context>
chip_gen: v7x
topology: tpu7x:2x2x1
jax: 0.10.2.dev20260603
libtpu: 0.0.44.dev20260713+nightly
codegen_flags: <defaults>
</compile_context>

<pallas_src>
import jax
import jax.numpy as jnp
from jax import lax
from jax.experimental import pallas as pl
from jax.experimental.pallas import tpu as pltpu
from jax.experimental.pallas import tpu_sc as plsc

N_NODES = 10000
D_FEAT = 128
N_EDGES = 320000

NC = 2
NS = 16
NW = NC * NS
EPW = N_EDGES // NW
CH = 80
NCH = EPW // CH


def _sc_body(x_hbm, src_hbm, dst_hbm, out_hbm, sidx, didx, rows_v,
             acc_sh, gsem, isem, ssem):
    c = lax.axis_index("c")
    s = lax.axis_index("s")
    wid = s * NC + c

    def _zb(t, carry):
        rows_v[0, t // 8, pl.ds((t % 8) * 16, 16)] = jnp.zeros((16,),
                                                               jnp.float32)
        return carry

    lax.fori_loop(0, CH * 8, _zb, 0)

    @pl.when(s < 10)
    def _zero():
        for k in range(12):
            pltpu.async_copy(rows_v.at[0],
                             acc_sh.at[pl.ds(s * 1000 + k * CH, CH)], ssem)
        pltpu.async_copy(rows_v.at[0, pl.ds(0, 40)],
                         acc_sh.at[pl.ds(s * 1000 + 960, 40)], ssem)

    def _idx_fetch(i):
        b = i % 4
        pltpu.async_copy(src_hbm.at[wid, i], sidx.at[b], isem)
        pltpu.async_copy(dst_hbm.at[wid, i], didx.at[b], isem)

    def _idx_wait(i):
        b = i % 4
        pltpu.make_async_copy(src_hbm.at[wid, i], sidx.at[b], isem).wait()
        pltpu.make_async_copy(dst_hbm.at[wid, i], didx.at[b], isem).wait()

    def _gather(i):
        pltpu.async_copy(x_hbm.at[sidx.at[i % 4]], rows_v.at[i % 3], gsem)

    def _gather_wait(i):
        pltpu.make_async_copy(x_hbm.at[sidx.at[i % 4]], rows_v.at[i % 3],
                              gsem).wait()

    def _scatter(i):
        pltpu.async_copy(rows_v.at[i % 3], acc_sh.at[didx.at[i % 4]], ssem,
                         add=True)

    def _scatter_wait(i):
        pltpu.make_async_copy(rows_v.at[i % 3], acc_sh.at[didx.at[i % 4]],
                              ssem).wait()

    for i in range(3):
        _idx_fetch(i)

    @pl.when(s < 10)
    def _zero_wait():
        for k in range(12):
            pltpu.make_async_copy(
                rows_v.at[0], acc_sh.at[pl.ds(s * 1000 + k * CH, CH)],
                ssem).wait()
        pltpu.make_async_copy(
            rows_v.at[0, pl.ds(0, 40)],
            acc_sh.at[pl.ds(s * 1000 + 960, 40)], ssem).wait()

    _idx_wait(0)
    _gather(0)
    _idx_wait(1)
    _gather(1)
    plsc.subcore_barrier()

    def _step(i, carry):
        _gather_wait(i)

        @pl.when(i >= 1)
        def _drain():
            _scatter_wait(i - 1)

        @pl.when(i + 2 < NCH)
        def _next():
            _idx_wait(i + 2)
            _gather(i + 2)

        _scatter(i)

        @pl.when(i + 3 < NCH)
        def _prefetch():
            _idx_fetch(i + 3)

        return carry

    lax.fori_loop(0, NCH, _step, 0)
    _scatter_wait(NCH - 1)
    plsc.subcore_barrier()

    @pl.when(s < 10)
    def _out():
        pltpu.sync_copy(acc_sh.at[pl.ds(s * 1000, 1000)],
                        out_hbm.at[c, pl.ds(s * 1000, 1000)])


_sc_fused = pl.kernel(
    _sc_body,
    out_type=jax.ShapeDtypeStruct((NC, N_NODES, D_FEAT), jnp.float32),
    mesh=plsc.VectorSubcoreMesh(core_axis_name="c", subcore_axis_name="s",
                                num_cores=NC, num_subcores=NS),
    compiler_params=pltpu.CompilerParams(skip_device_barrier=True),
    scratch_types=[
        pltpu.VMEM((4, CH), jnp.int32),
        pltpu.VMEM((4, CH), jnp.int32),
        pltpu.VMEM((3, CH, D_FEAT), jnp.float32),
        pltpu.VMEM_SHARED((N_NODES, D_FEAT), jnp.float32),
        pltpu.SemaphoreType.DMA,
        pltpu.SemaphoreType.DMA,
        pltpu.SemaphoreType.DMA,
    ],
)


def _sum_body(p_ref, o_ref):
    o_ref[...] = p_ref[0] + p_ref[1]


def _tc_sum(partials):
    blk = 1000
    return pl.pallas_call(
        _sum_body,
        out_shape=jax.ShapeDtypeStruct((N_NODES, D_FEAT), jnp.float32),
        grid=(N_NODES // blk,),
        in_specs=[pl.BlockSpec((NC, blk, D_FEAT), lambda i: (0, i, 0))],
        out_specs=pl.BlockSpec((blk, D_FEAT), lambda i: (i, 0)),
    )(partials)


@jax.jit
def kernel(x, edge_index):
    src = edge_index[0].reshape(NW, NCH, CH)
    dst = edge_index[1].reshape(NW, NCH, CH)
    partials = _sc_fused(x, src, dst)
    return _tc_sum(partials)

# --- scband reference (transcript-rebuilt; emitter-appended) ---
"""Pipeline reference for scband-node-feat-fusion-17712445129202 (READ-ONLY COPY).

The authoritative reference and input builder live on the scoring server;
editing this copy changes nothing except your own understanding.
"""

import jax, jax.numpy as jnp
import numpy as np

N_NODES = 10000
D_FEAT = 128
N_EDGES = 320000

def setup_inputs(seed: int = 0) -> dict:
    key = jax.random.key(seed)
    k1, k2 = jax.random.split(key)
    x = jax.random.normal(k1, (N_NODES, D_FEAT), dtype=jnp.float32)
    edge_index = jax.random.randint(k2, (2, N_EDGES), 0, N_NODES, dtype=jnp.int64 if jax.config.jax_enable_x64 else jnp.int32).astype(jnp.int32)
    return {"x": x, "edge_index": edge_index}

def reference(x, edge_index):
    # DGL update_all with msg = src['hidden'], reduce = sum over mailbox,
    # apply: hidden = reduce. Equivalent to scatter-add of source features
    # into destination nodes: new_hidden[dst] = sum_{(src,dst) in E} x[src].
    src = edge_index[0]
    dst = edge_index[1]
    msgs = jnp.take(x, src, axis=0)  # gather source features per edge
    new_hidden = jnp.zeros_like(x).at[dst].add(msgs)  # scatter-add reduce
    return new_hidden

if __name__ == "__main__":
    import jax
    _d = setup_inputs()
    print(jax.jit(kernel)(*tuple(_d.values())))

</pallas_src>

<mosaic_0001>
#map = affine_map<(d0, d1) -> (0, 0)>
#map1 = affine_map<(d0, d1) -> (0, 0, 0)>
module attributes {stable_mosaic.version = 14 : i64} {
  func.func @_sc_body(%arg0: i32, %arg1: i32, %arg2: memref<10000x128xf32, #tpu.memory_space<hbm>>, %arg3: memref<32x125x80xi32, #tpu.memory_space<hbm>>, %arg4: memref<32x125x80xi32, #tpu.memory_space<hbm>>, %arg5: memref<2x10000x128xf32, #tpu.memory_space<hbm>>, %arg6: memref<4x80xi32, #tpu.memory_space<vmem>>, %arg7: memref<4x80xi32, #tpu.memory_space<vmem>>, %arg8: memref<3x80x128xf32, #tpu.memory_space<vmem>>, %arg9: memref<10000x128xf32, #tpu.memory_space<vmem_shared>>, %arg10: memref<!tpu.dma_semaphore, #tpu.memory_space<semaphore_mem>>, %arg11: memref<!tpu.dma_semaphore, #tpu.memory_space<semaphore_mem>>, %arg12: memref<!tpu.dma_semaphore, #tpu.memory_space<semaphore_mem>>) attributes {dimension_semantics = [#tpu.dimension_semantics<core_parallel>, #tpu.dimension_semantics<subcore_parallel>], iteration_bounds = array<i64: 2, 16>, scalar_prefetch = 0 : i64, scratch_operands = 7 : i64, tpu.core_type = #tpu.core_type<sc_vector_subcore>, window_params = [{transform_indices = #map}, {transform_indices = #map1}, {transform_indices = #map1}, {transform_indices = #map1}]} {
    %mul3A = arith.constant 2 : i32
    %mul3A_0 = arith.muli %arg1, %mul3A : i32
    %add3A = arith.addi %mul3A_0, %arg0 : i32
    %scan3A = arith.constant 0 : i32
    %scan3A_1 = arith.constant 0 : i32
    %scan3A_2 = arith.constant 640 : i32
    %scan3A_3 = arith.addi %scan3A_1, %scan3A_2 : i32
    %scan3A_4 = arith.constant 1 : i32
    scf.for %scan3A_199 = %scan3A_1 to %scan3A_3 step %scan3A_4  : i32 {
      %broadcast_in_dim3A = arith.constant 0.000000e+00 : f32
      %broadcast_in_dim3A_200 = vector.broadcast %broadcast_in_dim3A : f32 to vector<16xf32>
      %jit3A = arith.constant 8 : i32
      %div3A = arith.divsi %scan3A_199, %jit3A : i32
      %sign3A = arith.constant 0 : i32
      %sign3A_201 = arith.cmpi sgt, %scan3A_199, %sign3A : i32
      %sign3A_202 = arith.extui %sign3A_201 : i1 to i32
      %sign3A_203 = arith.constant 0 : i32
      %sign3A_204 = arith.cmpi slt, %scan3A_199, %sign3A_203 : i32
      %sign3A_205 = arith.extui %sign3A_204 : i1 to i32
      %sign3A_206 = arith.subi %sign3A_202, %sign3A_205 : i32
      %sign3A_207 = arith.constant 0 : i32
      %sign3A_208 = arith.cmpi sgt, %jit3A, %sign3A_207 : i32
      %sign3A_209 = arith.extui %sign3A_208 : i1 to i32
      %sign3A_210 = arith.constant 0 : i32
      %sign3A_211 = arith.cmpi slt, %jit3A, %sign3A_210 : i32
      %sign3A_212 = arith.extui %sign3A_211 : i1 to i32
      %sign3A_213 = arith.subi %sign3A_209, %sign3A_212 : i32
      %ne3A = arith.cmpi ne, %sign3A_206, %sign3A_213 : i32
      %rem3A = arith.remsi %scan3A_199, %jit3A : i32
      %ne3A_214 = arith.constant 0 : i32
      %ne3A_215 = arith.cmpi ne, %rem3A, %ne3A_214 : i32
      %and3A = arith.andi %ne3A, %ne3A_215 : i1
      %sub3A = arith.constant 1 : i32
      %sub3A_216 = arith.subi %div3A, %sub3A : i32
      %select_n3A = arith.select %and3A, %sub3A_216, %div3A : i32
      %jit3A_217 = arith.constant 8 : i32
      %eq3A = arith.constant 0 : i32
      %eq3A_218 = arith.cmpi eq, %jit3A_217, %eq3A : i32
      %jit3A_219 = arith.constant 1 : i32
      %select_n3A_220 = arith.select %eq3A_218, %jit3A_219, %jit3A_217 : i32
      %rem3A_221 = arith.remsi %scan3A_199, %select_n3A_220 : i32
      %ne3A_222 = arith.constant 0 : i32
      %ne3A_223 = arith.cmpi ne, %rem3A_221, %ne3A_222 : i32
      %lt3A_224 = arith.constant 0 : i32
      %lt3A_225 = arith.cmpi slt, %rem3A_221, %lt3A_224 : i32
      %lt3A_226 = arith.constant 0 : i32
      %lt3A_227 = arith.cmpi slt, %select_n3A_220, %lt3A_226 : i32
      %ne3A_228 = arith.xori %lt3A_225, %lt3A_227 : i1
      %and3A_229 = arith.andi %ne3A_228, %ne3A_223 : i1
      %add3A_230 = arith.addi %rem3A_221, %select_n3A_220 : i32
      %select_n3A_231 = arith.select %and3A_229, %add3A_230, %rem3A_221 : i32
      %mul3A_232 = arith.constant 16 : i32
      %mul3A_233 = arith.muli %select_n3A_231, %mul3A_232 : i32
      %swap3A = arith.constant 0 : i32
      %swap3A_234 = arith.index_cast %swap3A : i32 to index
      %swap3A_235 = arith.index_cast %select_n3A : i32 to index
      %swap3A_236 = arith.index_cast %mul3A_233 : i32 to index
      %swap3A_237 = tpu.vector_load %arg8[%swap3A_234, %swap3A_235, %swap3A_236] {strides = array<i32>} : memref<3x80x128xf32, #tpu.memory_space<vmem>>, vector<1x1x16xf32>,
      %swap3A_238 = vector.shape_cast %swap3A_237 : vector<1x1x16xf32> to vector<16xf32>
      %swap3A_239 = vector.shape_cast %broadcast_in_dim3A_200 : vector<16xf32> to vector<1x1x16xf32>
      tpu.vector_store %arg8[%swap3A_234, %swap3A_235, %swap3A_236], %swap3A_239 {strides = array<i32>} : memref<3x80x128xf32, #tpu.memory_space<vmem>>, vector<1x1x16xf32>,
    }
    %scan3A_5 = arith.constant 640 : i32
    %lt3A = arith.constant 10 : i32
    %lt3A_6 = arith.cmpi slt, %arg1, %lt3A : i32
    %convert_element_type3A = arith.extui %lt3A_6 : i1 to i32
    %cond3A = arith.constant 0 : i32
    %cond3A_7 = arith.cmpi ne, %convert_element_type3A, %cond3A : i32
    scf.if %cond3A_7 {
      %mul3A_199 = arith.constant 1000 : i32
      %mul3A_200 = arith.muli %arg1, %mul3A_199 : i32
      %add3A_201 = arith.constant 0 : i32
      %add3A_202 = arith.addi %mul3A_200, %add3A_201 : i32
      %dma_start3A_203 = arith.constant 0 : i32
      %dma_start3A_204 = arith.constant 0 : i32
      %dma_start3A_205 = arith.constant 0 : i32
      %dma_start3A_206 = tpu.memref_slice %arg8[%dma_start3A_203, %dma_start3A_204, %dma_start3A_205] : memref<3x80x128xf32, #tpu.memory_space<vmem>> -> memref<1x80x128xf32, #tpu.memory_space<vmem>>
      %dma_start3A_207 = tpu.memref_squeeze %dma_start3A_206 : memref<1x80x128xf32, #tpu.memory_space<vmem>> -> memref<80x128xf32, #tpu.memory_space<vmem>>
      %dma_start3A_208 = arith.constant 0 : i32
      %dma_start3A_209 = tpu.memref_slice %arg9[%add3A_202, %dma_start3A_208] : memref<10000x128xf32, #tpu.memory_space<vmem_shared>> -> memref<80x128xf32, #tpu.memory_space<vmem_shared>>
      %dma_start3A_210 = arith.constant 0 : i32
      %dma_start3A_211 = tpu.memref_slice %arg9[%add3A_202, %dma_start3A_210] : memref<10000x128xf32, #tpu.memory_space<vmem_shared>> -> memref<80x128xf32, #tpu.memory_space<vmem_shared>>
      %dma_start3A_212 = arith.constant 0 : i32
      %dma_start3A_213 = arith.constant 0 : i32
      %dma_start3A_214 = tpu.memref_slice %arg8[%dma_start3A_203, %dma_start3A_212, %dma_start3A_213] : memref<3x80x128xf32, #tpu.memory_space<vmem>> -> memref<1x80x128xf32, #tpu.memory_space<vmem>>
      %dma_start3A_215 = tpu.memref_squeeze %dma_start3A_214 : memref<1x80x128xf32, #tpu.memory_space<vmem>> -> memref<80x128xf32, #tpu.memory_space<vmem>>
      tpu.enqueue_dma source(%dma_start3A_215 : memref<80x128xf32, #tpu.memory_space<vmem>>) target(%dma_start3A_211 : memref<80x128xf32, #tpu.memory_space<vmem_shared>>) target_semaphore(%arg12 : memref<!tpu.dma_semaphore, #tpu.memory_space<semaphore_mem>>)
      %mul3A_216 = arith.constant 1000 : i32
      %mul3A_217 = arith.muli %arg1, %mul3A_216 : i32
      %add3A_218 = arith.constant 80 : i32
      %add3A_219 = arith.addi %mul3A_217, %add3A_218 : i32
      %dma_start3A_220 = arith.constant 0 : i32
      %dma_start3A_221 = arith.constant 0 : i32
      %dma_start3A_222 = arith.constant 0 : i32
      %dma_start3A_223 = tpu.memref_slice %arg8[%dma_start3A_220, %dma_start3A_221, %dma_start3A_222] : memref<3x80x128xf32, #tpu.memory_space<vmem>> -> memref<1x80x128xf32, #tpu.memory_space<vmem>>
      %dma_start3A_224 = tpu.memref_squeeze %dma_start3A_223 : memref<1x80x128xf32, #tpu.memory_space<vmem>> -> memref<80x128xf32, #tpu.memory_space<vmem>>
      %dma_start3A_225 = arith.constant 0 : i32
      %dma_start3A_226 = tpu.memref_slice %arg9[%add3A_219, %dma_start3A_225] : memref<10000x128xf32, #tpu.memory_space<vmem_shared>> -> memref<80x128xf32, #tpu.memory_space<vmem_shared>>
      %dma_start3A_227 = arith.constant 0 : i32
      %dma_start3A_228 = tpu.memref_slice %arg9[%add3A_219, %dma_start3A_227] : memref<10000x128xf32, #tpu.memory_space<vmem_shared>> -> memref<80x128xf32, #tpu.memory_space<vmem_shared>>
      %dma_start3A_229 = arith.constant 0 : i32
      %dma_start3A_230 = arith.constant 0 : i32
      %dma_start3A_231 = tpu.memref_slice %arg8[%dma_start3A_220, %dma_start3A_229, %dma_start3A_230] : memref<3x80x128xf32, #tpu.memory_space<vmem>> -> memref<1x80x128xf32, #tpu.memory_space<vmem>>
      %dma_start3A_232 = tpu.memref_squeeze %dma_start3A_231 : memref<1x80x128xf32, #tpu.memory_space<vmem>> -> memref<80x128xf32, #tpu.memory_space<vmem>>
      tpu.enqueue_dma source(%dma_start3A_232 : memref<80x128xf32, #tpu.memory_space<vmem>>) target(%dma_start3A_228 : memref<80x128xf32, #tpu.memory_space<vmem_shared>>) target_semaphore(%arg12 : memref<!tpu.dma_semaphore, #tpu.memory_space<semaphore_mem>>)
      %mul3A_233 = arith.constant 1000 : i32
      %mul3A_234 = arith.muli %arg1, %mul3A_233 : i32
      %add3A_235 = arith.constant 160 : i32
      %add3A_236 = arith.addi %mul3A_234, %add3A_235 : i32
      %dma_start3A_237 = arith.constant 0 : i32
      %dma_start3A_238 = arith.constant 0 : i32
      %dma_start3A_239 = arith.constant 0 : i32
      %dma_start3A_240 = tpu.memref_slice %arg8[%dma_start3A_237, %dma_start3A_238, %dma_start3A_239] : memref<3x80x128xf32, #tpu.memory_space<vmem>> -> memref<1x80x128xf32, #tpu.memory_space<vmem>>
      %dma_start3A_241 = tpu.memref_squeeze %dma_start3A_240 : memref<1x80x128xf32, #tpu.memory_space<vmem>> -> memref<80x128xf32, #tpu.memory_space<vmem>>
      %dma_start3A_242 = arith.constant 0 : i32
      %dma_start3A_243 = tpu.memref_slice %arg9[%add3A_236, %dma_start3A_242] : memref<10000x128xf32, #tpu.memory_space<vmem_shared>> -> memref<80x128xf32, #tpu.memory_space<vmem_shared>>
      %dma_start3A_244 = arith.constant 0 : i32
      %dma_start3A_245 = tpu.memref_slice %arg9[%add3A_236, %dma_start3A_244] : memref<10000x128xf32, #tpu.memory_space<vmem_shared>> -> memref<80x128xf32, #tpu.memory_space<vmem_shared>>
      %dma_start3A_246 = arith.constant 0 : i32
      %dma_start3A_247 = arith.constant 0 : i32
      %dma_start3A_248 = tpu.memref_slice %arg8[%dma_start3A_237, %dma_start3A_246, %dma_start3A_247] : memref<3x80x128xf32, #tpu.memory_space<vmem>> -> memref<1x80x128xf32, #tpu.memory_space<vmem>>
      %dma_start3A_249 = tpu.memref_squeeze %dma_start3A_248 : memref<1x80x128xf32, #tpu.memory_space<vmem>> -> memref<80x128xf32, #tpu.memory_space<vmem>>
      tpu.enqueue_dma source(%dma_start3A_249 : memref<80x128xf32, #tpu.memory_space<vmem>>) target(%dma_start3A_245 : memref<80x128xf32, #tpu.memory_space<vmem_shared>>) target_semaphore(%arg12 : memref<!tpu.dma_semaphore, #tpu.memory_space<semaphore_mem>>)
      %mul3A_250 = arith.constant 1000 : i32
      %mul3A_251 = arith.muli %arg1, %mul3A_250 : i32
      %add3A_252 = arith.constant 240 : i32
      %add3A_253 = arith.addi %mul3A_251, %add3A_252 : i32
      %dma_start3A_254 = arith.constant 0 : i32
      %dma_start3A_255 = arith.constant 0 : i32
      %dma_start3A_256 = arith.constant 0 : i32
      %dma_start3A_257 = tpu.memref_slice %arg8[%dma_start3A_254, %dma_start3A_255, %dma_start3A_256] : memref<3x80x128xf32, #tpu.memory_space<vmem>> -> memref<1x80x128xf32, #tpu.memory_space<vmem>>
      %dma_start3A_258 = tpu.memref_squeeze %dma_start3A_257 : memref<1x80x128xf32, #tpu.memory_space<vmem>> -> memref<80x128xf32, #tpu.memory_space<vmem>>
      %dma_start3A_259 = arith.constant 0 : i32
      %dma_start3A_260 = tpu.memref_slice %arg9[%add3A_253, %dma_start3A_259] : memref<10000x128xf32, #tpu.memory_space<vmem_shared>> -> memref<80x128xf32, #tpu.memory_space<vmem_shared>>
      %dma_start3A_261 = arith.constant 0 : i32
      %dma_start3A_262 = tpu.memref_slice %arg9[%add3A_253, %dma_start3A_261] : memref<10000x128xf32, #tpu.memory_space<vmem_shared>> -> memref<80x128xf32, #tpu.memory_space<vmem_shared>>
      %dma_start3A_263 = arith.constant 0 : i32
      %dma_start3A_264 = arith.constant 0 : i32
      %dma_start3A_265 = tpu.memref_slice %arg8[%dma_start3A_254, %dma_start3A_263, %dma_start3A_264] : memref<3x80x128xf32, #tpu.memory_space<vmem>> -> memref<1x80x128xf32, #tpu.memory_space<vmem>>
      %dma_start3A_266 = tpu.memref_squeeze %dma_start3A_265 : memref<1x80x128xf32, #tpu.memory_space<vmem>> -> memref<80x128xf32, #tpu.memory_space<vmem>>
      tpu.enqueue_dma source(%dma_start3A_266 : memref<80x128xf32, #tpu.memory_space<vmem>>) target(%dma_start3A_262 : memref<80x128xf32, #tpu.memory_space<vmem_shared>>) target_semaphore(%arg12 : memref<!tpu.dma_semaphore, #tpu.memory_space<semaphore_mem>>)
      %mul3A_267 = arith.constant 1000 : i32
      %mul3A_268 = arith.muli %arg1, %mul3A_267 : i32
      %add3A_269 = arith.constant 320 : i32
      %add3A_270 = arith.addi %mul3A_268, %add3A_269 : i32
      %dma_start3A_271 = arith.constant 0 : i32
      %dma_start3A_272 = arith.constant 0 : i32
      %dma_start3A_273 = arith.constant 0 : i32
      %dma_start3A_274 = tpu.memref_slice %arg8[%dma_start3A_271, %dma_start3A_272, %dma_start3A_273] : memref<3x80x128xf32, #tpu.memory_space<vmem>> -> memref<1x80x128xf32, #tpu.memory_space<vmem>>
      %dma_start3A_275 = tpu.memref_squeeze %dma_start3A_274 : memref<1x80x128xf32, #tpu.memory_space<vmem>> -> memref<80x128xf32, #tpu.memory_space<vmem>>
      %dma_start3A_276 = arith.constant 0 : i32
      %dma_start3A_277 = tpu.memref_slice %arg9[%add3A_270, %dma_start3A_276] : memref<10000x128xf32, #tpu.memory_space<vmem_shared>> -> memref<80x128xf32, #tpu.memory_space<vmem_shared>>
      %dma_start3A_278 = arith.constant 0 : i32
      %dma_start3A_279 = tpu.memref_slice %arg9[%add3A_270, %dma_start3A_278] : memref<10000x128xf32, #tpu.memory_space<vmem_shared>> -> memref<80x128xf32, #tpu.memory_space<vmem_shared>>
      %dma_start3A_280 = arith.constant 0 : i32
      %dma_start3A_281 = arith.constant 0 : i32
      %dma_start3A_282 = tpu.memref_slice %arg8[%dma_start3A_271, %dma_start3A_280, %dma_start3A_281] : memref<3x80x128xf32, #tpu.memory_space<vmem>> -> memref<1x80x128xf32, #tpu.memory_space<vmem>>
      %dma_start3A_283 = tpu.memref_squeeze %dma_start3A_282 : memref<1x80x128xf32, #tpu.memory_space<vmem>> -> memref<80x128xf32, #tpu.memory_space<vmem>>
      tpu.enqueue_dma source(%dma_start3A_283 : memref<80x128xf32, #tpu.memory_space<vmem>>) target(%dma_start3A_279 : memref<80x128xf32, #tpu.memory_space<vmem_shared>>) target_semaphore(%arg12 : memref<!tpu.dma_semaphore, #tpu.memory_space<semaphore_mem>>)
      %mul3A_284 = arith.constant 1000 : i32
      %mul3A_285 = arith.muli %arg1, %mul3A_284 : i32
      %add3A_286 = arith.constant 400 : i32
      %add3A_287 = arith.addi %mul3A_285, %add3A_286 : i32
      %dma_start3A_288 = arith.constant 0 : i32
      %dma_start3A_289 = arith.constant 0 : i32
      %dma_start3A_290 = arith.constant 0 : i32
      %dma_start3A_291 = tpu.memref_slice %arg8[%dma_start3A_288, %dma_start3A_289, %dma_start3A_290] : memref<3x80x128xf32, #tpu.memory_space<vmem>> -> memref<1x80x128xf32, #tpu.memory_space<vmem>>
      %dma_start3A_292 = tpu.memref_squeeze %dma_start3A_291 : memref<1x80x128xf32, #tpu.memory_space<vmem>> -> memref<80x128xf32, #tpu.memory_space<vmem>>
      %dma_start3A_293 = arith.constant 0 : i32
      %dma_start3A_294 = tpu.memref_slice %arg9[%add3A_287, %dma_start3A_293] : memref<10000x128xf32, #tpu.memory_space<vmem_shared>> -> memref<80x128xf32, #tpu.memory_space<vmem_shared>>
      %dma_start3A_295 = arith.constant 0 : i32
      %dma_start3A_296 = tpu.memref_slice %arg9[%add3A_287, %dma_start3A_295] : memref<10000x128xf32, #tpu.memory_space<vmem_shared>> -> memref<80x128xf32, #tpu.memory_space<vmem_shared>>
      %dma_start3A_297 = arith.constant 0 : i32
      %dma_start3A_298 = arith.constant 0 : i32
      %dma_start3A_299 = tpu.memref_slice %arg8[%dma_start3A_288, %dma_start3A_297, %dma_start3A_298] : memref<3x80x128xf32, #tpu.memory_space<vmem>> -> memref<1x80x128xf32, #tpu.memory_space<vmem>>
      %dma_start3A_300 = tpu.memref_squeeze %dma_start3A_299 : memref<1x80x128xf32, #tpu.memory_space<vmem>> -> memref<80x128xf32, #tpu.memory_space<vmem>>
      tpu.enqueue_dma source(%dma_start3A_300 : memref<80x128xf32, #tpu.memory_space<vmem>>) target(%dma_start3A_296 : memref<80x128xf32, #tpu.memory_space<vmem_shared>>) target_semaphore(%arg12 : memref<!tpu.dma_semaphore, #tpu.memory_space<semaphore_mem>>)
      %mul3A_301 = arith.constant 1000 : i32
      %mul3A_302 = arith.muli %arg1, %mul3A_301 : i32
      %add3A_303 = arith.constant 480 : i32
      %add3A_304 = arith.addi %mul3A_302, %add3A_303 : i32
      %dma_start3A_305 = arith.constant 0 : i32
      %dma_start3A_306 = arith.constant 0 : i32
      %dma_start3A_307 = arith.constant 0 : i32
      %dma_start3A_308 = tpu.memref_slice %arg8[%dma_start3A_305, %dma_start3A_306, %dma_start3A_307] : memref<3x80x128xf32, #tpu.memory_space<vmem>> -> memref<1x80x128xf32, #tpu.memory_space<vmem>>
      %dma_start3A_309 = tpu.memref_squeeze %dma_start3A_308 : memref<1x80x128xf32, #tpu.memory_space<vmem>> -> memref<80x128xf32, #tpu.memory_space<vmem>>
      %dma_start3A_310 = arith.constant 0 : i32
      %dma_start3A_311 = tpu.memref_slice %arg9[%add3A_304, %dma_start3A_310] : memref<10000x128xf32, #tpu.memory_space<vmem_shared>> -> memref<80x128xf32, #tpu.memory_space<vmem_shared>>
      %dma_start3A_312 = arith.constant 0 : i32
      %dma_start3A_313 = tpu.memref_slice %arg9[%add3A_304, %dma_start3A_312] : memref<10000x128xf32, #tpu.memory_space<vmem_shared>> -> memref<80x128xf32, #tpu.memory_space<vmem_shared>>
      %dma_start3A_314 = arith.constant 0 : i32
      %dma_start3A_315 = arith.constant 0 : i32
      %dma_start3A_316 = tpu.memref_slice %arg8[%dma_start3A_305, %dma_start3A_314, %dma_start3A_315] : memref<3x80x128xf32, #tpu.memory_space<vmem>> -> memref<1x80x128xf32, #tpu.memory_space<vmem>>
      %dma_start3A_317 = tpu.memref_squeeze %dma_start3A_316 : memref<1x80x128xf32, #tpu.memory_space<vmem>> -> memref<80x128xf32, #tpu.memory_space<vmem>>
      tpu.enqueue_dma source(%dma_start3A_317 : memref<80x128xf32, #tpu.memory_space<vmem>>) target(%dma_start3A_313 : memref<80x128xf32, #tpu.memory_space<vmem_shared>>) target_semaphore(%arg12 : memref<!tpu.dma_semaphore, #tpu.memory_space<semaphore_mem>>)
      %mul3A_318 = arith.constant 1000 : i32
      %mul3A_319 = arith.muli %arg1, %mul3A_318 : i32
      %add3A_320 = arith.constant 560 : i32
      %add3A_321 = arith.addi %mul3A_319, %add3A_320 : i32
      %dma_start3A_322 = arith.constant 0 : i32
      %dma_start3A_323 = arith.constant 0 : i32
      %dma_start3A_324 = arith.constant 0 : i32
      %dma_start3A_325 = tpu.memref_slice %arg8[%dma_start3A_322, %dma_start3A_323, %dma_start3A_324] : memref<3x80x128xf32, #tpu.memory_space<vmem>> -> memref<1x80x128xf32, #tpu.memory_space<vmem>>
      %dma_start3A_326 = tpu.memref_squeeze %dma_start3A_325 : memref<1x80x128xf32, #tpu.memory_space<vmem>> -> memref<80x128xf32, #tpu.memory_space<vmem>>
      %dma_start3A_327 = arith.constant 0 : i32
      %dma_start3A_328 = tpu.memref_slice %arg9[%add3A_321, %dma_start3A_327] : memref<10000x128xf32, #tpu.memory_space<vmem_shared>> -> memref<80x128xf32, #tpu.memory_space<vmem_shared>>
      %dma_start3A_329 = arith.constant 0 : i32
      %dma_start3A_330 = tpu.memref_slice %arg9[%add3A_321, %dma_start3A_329] : memref<10000x128xf32, #tpu.memory_space<vmem_shared>> -> memref<80x128xf32, #tpu.memory_space<vmem_shared>>
      %dma_start3A_331 = arith.constant 0 : i32
      %dma_start3A_332 = arith.constant 0 : i32
      %dma_start3A_333 = tpu.memref_slice %arg8[%dma_start3A_322, %dma_start3A_331, %dma_start3A_332] : memref<3x80x128xf32, #tpu.memory_space<vmem>> -> memref<1x80x128xf32, #tpu.memory_space<vmem>>
      %dma_start3A_334 = tpu.memref_squeeze %dma_start3A_333 : memref<1x80x128xf32, #tpu.memory_space<vmem>> -> memref<80x128xf32, #tpu.memory_space<vmem>>
      tpu.enqueue_dma source(%dma_start3A_334 : memref<80x128xf32, #tpu.memory_space<vmem>>) target(%dma_start3A_330 : memref<80x128xf32, #tpu.memory_space<vmem_shared>>) target_semaphore(%arg12 : memref<!tpu.dma_semaphore, #tpu.memory_space<semaphore_mem>>)
      %mul3A_335 = arith.constant 1000 : i32
      %mul3A_336 = arith.muli %arg1, %mul3A_335 : i32
      %add3A_337 = arith.constant 640 : i32
      %add3A_338 = arith.addi %mul3A_336, %add3A_337 : i32
      %dma_start3A_339 = arith.constant 0 : i32
      %dma_start3A_340 = arith.constant 0 : i32
      %dma_start3A_341 = arith.constant 0 : i32
      %dma_start3A_342 = tpu.memref_slice %arg8[%dma_start3A_339, %dma_start3A_340, %dma_start3A_341] : memref<3x80x128xf32, #tpu.memory_space<vmem>> -> memref<1x80x128xf32, #tpu.memory_space<vmem>>
      %dma_start3A_343 = tpu.memref_squeeze %dma_start3A_342 : memref<1x80x128xf32, #tpu.memory_space<vmem>> -> memref<80x128xf32, #tpu.memory_space<vmem>>
      %dma_start3A_344 = arith.constant 0 : i32
      %dma_start3A_345 = tpu.memref_slice %arg9[%add3A_338, %dma_start3A_344] : memref<10000x128xf32, #tpu.memory_space<vmem_shared>> -> memref<80x128xf32, #tpu.memory_space<vmem_shared>>
      %dma_start3A_346 = arith.constant 0 : i32
      %dma_start3A_347 = tpu.memref_slice %arg9[%add3A_338, %dma_start3A_346] : memref<10000x128xf32, #tpu.memory_space<vmem_shared>> -> memref<80x128xf32, #tpu.memory_space<vmem_shared>>
      %dma_start3A_348 = arith.constant 0 : i32
      %dma_start3A_349 = arith.constant 0 : i32
      %dma_start3A_350 = tpu.memref_slice %arg8[%dma_start3A_339, %dma_start3A_348, %dma_start3A_349] : memref<3x80x128xf32, #tpu.memory_space<vmem>> -> memref<1x80x128xf32, #tpu.memory_space<vmem>>
      %dma_start3A_351 = tpu.memref_squeeze %dma_start3A_350 : memref<1x80x128xf32, #tpu.memory_space<vmem>> -> memref<80x128xf32, #tpu.memory_space<vmem>>
      tpu.enqueue_dma source(%dma_start3A_351 : memref<80x128xf32, #tpu.memory_space<vmem>>) target(%dma_start3A_347 : memref<80x128xf32, #tpu.memory_space<vmem_shared>>) target_semaphore(%arg12 : memref<!tpu.dma_semaphore, #tpu.memory_space<semaphore_mem>>)
      %mul3A_352 = arith.constant 1000 : i32
      %mul3A_353 = arith.muli %arg1, %mul3A_352 : i32
      %add3A_354 = arith.constant 720 : i32
      %add3A_355 = arith.addi %mul3A_353, %add3A_354 : i32
      %dma_start3A_356 = arith.constant 0 : i32
      %dma_start3A_357 = arith.constant 0 : i32
      %dma_start3A_358 = arith.constant 0 : i32
      %dma_start3A_359 = tpu.memref_slice %arg8[%dma_start3A_356, %dma_start3A_357, %dma_start3A_358] : memref<3x80x128xf32, #tpu.memory_space<vmem>> -> memref<1x80x128xf32, #tpu.memory_space<vmem>>
      %dma_start3A_360 = tpu.memref_squeeze %dma_start3A_359 : memref<1x80x128xf32, #tpu.memory_space<vmem>> -> memref<80x128xf32, #tpu.memory_space<vmem>>
      %dma_start3A_361 = arith.constant 0 : i32
      %dma_start3A_362 = tpu.memref_slice %arg9[%add3A_355, %dma_start3A_361] : memref<10000x128xf32, #tpu.memory_space<vmem_shared>> -> memref<80x128xf32, #tpu.memory_space<vmem_shared>>
      %dma_start3A_363 = arith.constant 0 : i32
      %dma_start3A_364 = tpu.memref_slice %arg9[%add3A_355, %dma_start3A_363] : memref<10000x128xf32, #tpu.memory_space<vmem_shared>> -> memref<80x128xf32, #tpu.memory_space<vmem_shared>>
      %dma_start3A_365 = arith.constant 0 : i32
      %dma_start3A_366 = arith.constant 0 : i32
      %dma_start3A_367 = tpu.memref_slice %arg8[%dma_start3A_356, %dma_start3A_365, %dma_start3A_366] : memref<3x80x128xf32, #tpu.memory_space<vmem>> -> memref<1x80x128xf32, #tpu.memory_space<vmem>>
      %dma_start3A_368 = tpu.memref_squeeze %dma_start3A_367 : memref<1x80x128xf32, #tpu.memory_space<vmem>> -> memref<80x128xf32, #tpu.memory_space<vmem>>
      tpu.enqueue_dma source(%dma_start3A_368 : memref<80x128xf32, #tpu.memory_space<vmem>>) target(%dma_start3A_364 : memref<80x128xf32, #tpu.memory_space<vmem_shared>>) target_semaphore(%arg12 : memref<!tpu.dma_semaphore, #tpu.memory_space<semaphore_mem>>)
      %mul3A_369 = arith.constant 1000 : i32
      %mul3A_370 = arith.muli %arg1, %mul3A_369 : i32
      %add3A_371 = arith.constant 800 : i32
      %add3A_372 = arith.addi %mul3A_370, %add3A_371 : i32
      %dma_start3A_373 = arith.constant 0 : i32
      %dma_start3A_374 = arith.constant 0 : i32
      %dma_start3A_375 = arith.constant 0 : i32
      %dma_start3A_376 = tpu.memref_slice %arg8[%dma_start3A_373, %dma_start3A_374, %dma_start3A_375] : memref<3x80x128xf32, #tpu.memory_space<vmem>> -> memref<1x80x128xf32, #tpu.memory_space<vmem>>
      %dma_start3A_377 = tpu.memref_squeeze %dma_start3A_376 : memref<1x80x128xf32, #tpu.memory_space<vmem>> -> memref<80x128xf32, #tpu.memory_space<vmem>>
      %dma_start3A_378 = arith.constant 0 : i32
      %dma_start3A_379 = tpu.memref_slice %arg9[%add3A_372, %dma_start3A_378] : memref<10000x128xf32, #tpu.memory_space<vmem_shared>> -> memref<80x128xf32, #tpu.memory_space<vmem_shared>>
      %dma_start3A_380 = arith.constant 0 : i32
      %dma_start3A_381 = tpu.memref_slice %arg9[%add3A_372, %dma_start3A_380] : memref<10000x128xf32, #tpu.memory_space<vmem_shared>> -> memref<80x128xf32, #tpu.memory_space<vmem_shared>>
      %dma_start3A_382 = arith.constant 0 : i32
      %dma_start3A_383 = arith.constant 0 : i32
      %dma_start3A_384 = tpu.memref_slice %arg8[%dma_start3A_373, %dma_start3A_382, %dma_start3A_383] : memref<3x80x128xf32, #tpu.memory_space<vmem>> -> memref<1x80x128xf32, #tpu.memory_space<vmem>>
      %dma_start3A_385 = tpu.memref_squeeze %dma_start3A_384 : memref<1x80x128xf32, #tpu.memory_space<vmem>> -> memref<80x128xf32, #tpu.memory_space<vmem>>
      tpu.enqueue_dma source(%dma_start3A_385 : memref<80x128xf32, #tpu.memory_space<vmem>>) target(%dma_start3A_381 : memref<80x128xf32, #tpu.memory_space<vmem_shared>>) target_semaphore(%arg12 : memref<!tpu.dma_semaphore, #tpu.memory_space<semaphore_mem>>)
      %mul3A_386 = arith.constant 1000 : i32
      %mul3A_387 = arith.muli %arg1, %mul3A_386 : i32
      %add3A_388 = arith.constant 880 : i32
      %add3A_389 = arith.addi %mul3A_387, %add3A_388 : i32
      %dma_start3A_390 = arith.constant 0 : i32
      %dma_start3A_391 = arith.constant 0 : i32
      %dma_start3A_392 = arith.constant 0 : i32
      %dma_start3A_393 = tpu.memref_slice %arg8[%dma_start3A_390, %dma_start3A_391, %dma_start3A_392] : memref<3x80x128xf32, #tpu.memory_space<vmem>> -> memref<1x80x128xf32, #tpu.memory_space<vmem>>
      %dma_start3A_394 = tpu.memref_squeeze %dma_start3A_393 : memref<1x80x128xf32, #tpu.memory_space<vmem>> -> memref<80x128xf32, #tpu.memory_space<vmem>>
      %dma_start3A_395 = arith.constant 0 : i32
      %dma_start3A_396 = tpu.memref_slice %arg9[%add3A_389, %dma_start3A_395] : memref<10000x128xf32, #tpu.memory_space<vmem_shared>> -> memref<80x128xf32, #tpu.memory_space<vmem_shared>>
      %dma_start3A_397 = arith.constant 0 : i32
      %dma_start3A_398 = tpu.memref_slice %arg9[%add3A_389, %dma_start3A_397] : memref<10000x128xf32, #tpu.memory_space<vmem_shared>> -> memref<80x128xf32, #tpu.memory_space<vmem_shared>>
      %dma_start3A_399 = arith.constant 0 : i32
      %dma_start3A_400 = arith.constant 0 : i32
      %dma_start3A_401 = tpu.memref_slice %arg8[%dma_start3A_390, %dma_start3A_399, %dma_start3A_400] : memref<3x80x128xf32, #tpu.memory_space<vmem>> -> memref<1x80x128xf32, #tpu.memory_space<vmem>>
      %dma_start3A_402 = tpu.memref_squeeze %dma_start3A_401 : memref<1x80x128xf32, #tpu.memory_space<vmem>> -> memref<80x128xf32, #tpu.memory_space<vmem>>
      tpu.enqueue_dma source(%dma_start3A_402 : memref<80x128xf32, #tpu.memory_space<vmem>>) target(%dma_start3A_398 : memref<80x128xf32, #tpu.memory_space<vmem_shared>>) target_semaphore(%arg12 : memref<!tpu.dma_semaphore, #tpu.memory_space<semaphore_mem>>)
      %mul3A_403 = arith.constant 1000 : i32
      %mul3A_404 = arith.muli %arg1, %mul3A_403 : i32
      %add3A_405 = arith.constant 960 : i32
      %add3A_406 = arith.addi %mul3A_404, %add3A_405 : i32
      %dma_start3A_407 = arith.constant 0 : i32
      %dma_start3A_408 = arith.constant 0 : i32
      %dma_start3A_409 = arith.constant 0 : i32
      %dma_start3A_410 = tpu.memref_slice %arg8[%dma_start3A_407, %dma_start3A_408, %dma_start3A_409] : memref<3x80x128xf32, #tpu.memory_space<vmem>> -> memref<1x40x128xf32, #tpu.memory_space<vmem>>
      %dma_start3A_411 = tpu.memref_squeeze %dma_start3A_410 : memref<1x40x128xf32, #tpu.memory_space<vmem>> -> memref<40x128xf32, #tpu.memory_space<vmem>>
      %dma_start3A_412 = arith.constant 0 : i32
      %dma_start3A_413 = tpu.memref_slice %arg9[%add3A_406, %dma_start3A_412] : memref<10000x128xf32, #tpu.memory_space<vmem_shared>> -> memref<40x128xf32, #tpu.memory_space<vmem_shared>>
      %dma_start3A_414 = arith.constant 0 : i32
      %dma_start3A_415 = tpu.memref_slice %arg9[%add3A_406, %dma_start3A_414] : memref<10000x128xf32, #tpu.memory_space<vmem_shared>> -> memref<40x128xf32, #tpu.memory_space<vmem_shared>>
      %dma_start3A_416 = arith.constant 0 : i32
      %dma_start3A_417 = arith.constant 0 : i32
      %dma_start3A_418 = tpu.memref_slice %arg8[%dma_start3A_407, %dma_start3A_416, %dma_start3A_417] : memref<3x80x128xf32, #tpu.memory_space<vmem>> -> memref<1x40x128xf32, #tpu.memory_space<vmem>>
      %dma_start3A_419 = tpu.memref_squeeze %dma_start3A_418 : memref<1x40x128xf32, #tpu.memory_space<vmem>> -> memref<40x128xf32, #tpu.memory_space<vmem>>
      tpu.enqueue_dma source(%dma_start3A_419 : memref<40x128xf32, #tpu.memory_space<vmem>>) target(%dma_start3A_415 : memref<40x128xf32, #tpu.memory_space<vmem_shared>>) target_semaphore(%arg12 : memref<!tpu.dma_semaphore, #tpu.memory_space<semaphore_mem>>)
    } else {
    }
    %dma_start3A = arith.constant 0 : i32
    %dma_start3A_8 = arith.constant 0 : i32
    %dma_start3A_9 = arith.constant 0 : i32
    %dma_start3A_10 = tpu.memref_slice %arg6[%dma_start3A_8, %dma_start3A_9] : memref<4x80xi32, #tpu.memory_space<vmem>> -> memref<1x80xi32, #tpu.memory_space<vmem>>
    %dma_start3A_11 = tpu.memref_squeeze %dma_start3A_10 : memref<1x80xi32, #tpu.memory_space<vmem>> -> memref<80xi32, #tpu.memory_space<vmem>>
    %dma_start3A_12 = arith.constant 0 : i32
    %dma_start3A_13 = tpu.memref_slice %arg3[%add3A, %dma_start3A, %dma_start3A_12] : memref<32x125x80xi32, #tpu.memory_space<hbm>> -> memref<1x1x80xi32, #tpu.memory_space<hbm>>
    %dma_start3A_14 = tpu.memref_squeeze %dma_start3A_13 : memref<1x1x80xi32, #tpu.memory_space<hbm>> -> memref<80xi32, #tpu.memory_space<hbm>>
    %dma_start3A_15 = arith.constant 0 : i32
    %dma_start3A_16 = tpu.memref_slice %arg6[%dma_start3A_8, %dma_start3A_15] : memref<4x80xi32, #tpu.memory_space<vmem>> -> memref<1x80xi32, #tpu.memory_space<vmem>>
    %dma_start3A_17 = tpu.memref_squeeze %dma_start3A_16 : memref<1x80xi32, #tpu.memory_space<vmem>> -> memref<80xi32, #tpu.memory_space<vmem>>
    %dma_start3A_18 = arith.constant 0 : i32
    %dma_start3A_19 = tpu.memref_slice %arg3[%add3A, %dma_start3A, %dma_start3A_18] : memref<32x125x80xi32, #tpu.memory_space<hbm>> -> memref<1x1x80xi32, #tpu.memory_space<hbm>>
    %dma_start3A_20 = tpu.memref_squeeze %dma_start3A_19 : memref<1x1x80xi32, #tpu.memory_space<hbm>> -> memref<80xi32, #tpu.memory_space<hbm>>
    tpu.enqueue_dma source(%dma_start3A_20 : memref<80xi32, #tpu.memory_space<hbm>>) target(%dma_start3A_17 : memref<80xi32, #tpu.memory_space<vmem>>) target_semaphore(%arg11 : memref<!tpu.dma_semaphore, #tpu.memory_space<semaphore_mem>>)
    %dma_start3A_21 = arith.constant 0 : i32
    %dma_start3A_22 = arith.constant 0 : i32
    %dma_start3A_23 = arith.constant 0 : i32
    %dma_start3A_24 = tpu.memref_slice %arg7[%dma_start3A_22, %dma_start3A_23] : memref<4x80xi32, #tpu.memory_space<vmem>> -> memref<1x80xi32, #tpu.memory_space<vmem>>
    %dma_start3A_25 = tpu.memref_squeeze %dma_start3A_24 : memref<1x80xi32, #tpu.memory_space<vmem>> -> memref<80xi32, #tpu.memory_space<vmem>>
    %dma_start3A_26 = arith.constant 0 : i32
    %dma_start3A_27 = tpu.memref_slice %arg4[%add3A, %dma_start3A_21, %dma_start3A_26] : memref<32x125x80xi32, #tpu.memory_space<hbm>> -> memref<1x1x80xi32, #tpu.memory_space<hbm>>
    %dma_start3A_28 = tpu.memref_squeeze %dma_start3A_27 : memref<1x1x80xi32, #tpu.memory_space<hbm>> -> memref<80xi32, #tpu.memory_space<hbm>>
    %dma_start3A_29 = arith.constant 0 : i32
    %dma_start3A_30 = tpu.memref_slice %arg7[%dma_start3A_22, %dma_start3A_29] : memref<4x80xi32, #tpu.memory_space<vmem>> -> memref<1x80xi32, #tpu.memory_space<vmem>>
    %dma_start3A_31 = tpu.memref_squeeze %dma_start3A_30 : memref<1x80xi32, #tpu.memory_space<vmem>> -> memref<80xi32, #tpu.memory_space<vmem>>
    %dma_start3A_32 = arith.constant 0 : i32
    %dma_start3A_33 = tpu.memref_slice %arg4[%add3A, %dma_start3A_21, %dma_start3A_32] : memref<32x125x80xi32, #tpu.memory_space<hbm>> -> memref<1x1x80xi32, #tpu.memory_space<hbm>>
    %dma_start3A_34 = tpu.memref_squeeze %dma_start3A_33 : memref<1x1x80xi32, #tpu.memory_space<hbm>> -> memref<80xi32, #tpu.memory_space<hbm>>
    tpu.enqueue_dma source(%dma_start3A_34 : memref<80xi32, #tpu.memory_space<hbm>>) target(%dma_start3A_31 : memref<80xi32, #tpu.memory_space<vmem>>) target_semaphore(%arg11 : memref<!tpu.dma_semaphore, #tpu.memory_space<semaphore_mem>>)
    %dma_start3A_35 = arith.constant 1 : i32
    %dma_start3A_36 = arith.constant 1 : i32
    %dma_start3A_37 = arith.constant 0 : i32
    %dma_start3A_38 = tpu.memref_slice %arg6[%dma_start3A_36, %dma_start3A_37] : memref<4x80xi32, #tpu.memory_space<vmem>> -> memref<1x80xi32, #tpu.memory_space<vmem>>
    %dma_start3A_39 = tpu.memref_squeeze %dma_start3A_38 : memref<1x80xi32, #tpu.memory_space<vmem>> -> memref<80xi32, #tpu.memory_space<vmem>>
    %dma_start3A_40 = arith.constant 0 : i32
    %dma_start3A_41 = tpu.memref_slice %arg3[%add3A, %dma_start3A_35, %dma_start3A_40] : memref<32x125x80xi32, #tpu.memory_space<hbm>> -> memref<1x1x80xi32, #tpu.memory_space<hbm>>
    %dma_start3A_42 = tpu.memref_squeeze %dma_start3A_41 : memref<1x1x80xi32, #tpu.memory_space<hbm>> -> memref<80xi32, #tpu.memory_space<hbm>>
    %dma_start3A_43 = arith.constant 0 : i32
    %dma_start3A_44 = tpu.memref_slice %arg6[%dma_start3A_36, %dma_start3A_43] : memref<4x80xi32, #tpu.memory_space<vmem>> -> memref<1x80xi32, #tpu.memory_space<vmem>>
    %dma_start3A_45 = tpu.memref_squeeze %dma_start3A_44 : memref<1x80xi32, #tpu.memory_space<vmem>> -> memref<80xi32, #tpu.memory_space<vmem>>
    %dma_start3A_46 = arith.constant 0 : i32
    %dma_start3A_47 = tpu.memref_slice %arg3[%add3A, %dma_start3A_35, %dma_start3A_46] : memref<32x125x80xi32, #tpu.memory_space<hbm>> -> memref<1x1x80xi32, #tpu.memory_space<hbm>>
    %dma_start3A_48 = tpu.memref_squeeze %dma_start3A_47 : memref<1x1x80xi32, #tpu.memory_space<hbm>> -> memref<80xi32, #tpu.memory_space<hbm>>
    tpu.enqueue_dma source(%dma_start3A_48 : memref<80xi32, #tpu.memory_space<hbm>>) target(%dma_start3A_45 : memref<80xi32, #tpu.memory_space<vmem>>) target_semaphore(%arg11 : memref<!tpu.dma_semaphore, #tpu.memory_space<semaphore_mem>>)
    %dma_start3A_49 = arith.constant 1 : i32
    %dma_start3A_50 = arith.constant 1 : i32
    %dma_start3A_51 = arith.constant 0 : i32
    %dma_start3A_52 = tpu.memref_slice %arg7[%dma_start3A_50, %dma_start3A_51] : memref<4x80xi32, #tpu.memory_space<vmem>> -> memref<1x80xi32, #tpu.memory_space<vmem>>
    %dma_start3A_53 = tpu.memref_squeeze %dma_start3A_52 : memref<1x80xi32, #tpu.memory_space<vmem>> -> memref<80xi32, #tpu.memory_space<vmem>>
    %dma_start3A_54 = arith.constant 0 : i32
    %dma_start3A_55 = tpu.memref_slice %arg4[%add3A, %dma_start3A_49, %dma_start3A_54] : memref<32x125x80xi32, #tpu.memory_space<hbm>> -> memref<1x1x80xi32, #tpu.memory_space<hbm>>
    %dma_start3A_56 = tpu.memref_squeeze %dma_start3A_55 : memref<1x1x80xi32, #tpu.memory_space<hbm>> -> memref<80xi32, #tpu.memory_space<hbm>>
    %dma_start3A_57 = arith.constant 0 : i32
    %dma_start3A_58 = tpu.memref_slice %arg7[%dma_start3A_50, %dma_start3A_57] : memref<4x80xi32, #tpu.memory_space<vmem>> -> memref<1x80xi32, #tpu.memory_space<vmem>>
    %dma_start3A_59 = tpu.memref_squeeze %dma_start3A_58 : memref<1x80xi32, #tpu.memory_space<vmem>> -> memref<80xi32, #tpu.memory_space<vmem>>
    %dma_start3A_60 = arith.constant 0 : i32
    %dma_start3A_61 = tpu.memref_slice %arg4[%add3A, %dma_start3A_49, %dma_start3A_60] : memref<32x125x80xi32, #tpu.memory_space<hbm>> -> memref<1x1x80xi32, #tpu.memory_space<hbm>>
    %dma_start3A_62 = tpu.memref_squeeze %dma_start3A_61 : memref<1x1x80xi32, #tpu.memory_space<hbm>> -> memref<80xi32, #tpu.memory_space<hbm>>
    tpu.enqueue_dma source(%dma_start3A_62 : memref<80xi32, #tpu.memory_space<hbm>>) target(%dma_start3A_59 : memref<80xi32, #tpu.memory_space<vmem>>) target_semaphore(%arg11 : memref<!tpu.dma_semaphore, #tpu.memory_space<semaphore_mem>>)
    %dma_start3A_63 = arith.constant 2 : i32
    %dma_start3A_64 = arith.constant 2 : i32
    %dma_start3A_65 = arith.constant 0 : i32
    %dma_start3A_66 = tpu.memref_slice %arg6[%dma_start3A_64, %dma_start3A_65] : memref<4x80xi32, #tpu.memory_space<vmem>> -> memref<1x80xi32, #tpu.memory_space<vmem>>
    %dma_start3A_67 = tpu.memref_squeeze %dma_start3A_66 : memref<1x80xi32, #tpu.memory_space<vmem>> -> memref<80xi32, #tpu.memory_space<vmem>>
    %dma_start3A_68 = arith.constant 0 : i32
    %dma_start3A_69 = tpu.memref_slice %arg3[%add3A, %dma_start3A_63, %dma_start3A_68] : memref<32x125x80xi32, #tpu.memory_space<hbm>> -> memref<1x1x80xi32, #tpu.memory_space<hbm>>
    %dma_start3A_70 = tpu.memref_squeeze %dma_start3A_69 : memref<1x1x80xi32, #tpu.memory_space<hbm>> -> memref<80xi32, #tpu.memory_space<hbm>>
    %dma_start3A_71 = arith.constant 0 : i32
    %dma_start3A_72 = tpu.memref_slice %arg6[%dma_start3A_64, %dma_start3A_71] : memref<4x80xi32, #tpu.memory_space<vmem>> -> memref<1x80xi32, #tpu.memory_space<vmem>>
    %dma_start3A_73 = tpu.memref_squeeze %dma_start3A_72 : memref<1x80xi32, #tpu.memory_space<vmem>> -> memref<80xi32, #tpu.memory_space<vmem>>
    %dma_start3A_74 = arith.constant 0 : i32
    %dma_start3A_75 = tpu.memref_slice %arg3[%add3A, %dma_start3A_63, %dma_start3A_74] : memref<32x125x80xi32, #tpu.memory_space<hbm>> -> memref<1x1x80xi32, #tpu.memory_space<hbm>>
    %dma_start3A_76 = tpu.memref_squeeze %dma_start3A_75 : memref<1x1x80xi32, #tpu.memory_space<hbm>> -> memref<80xi32, #tpu.memory_space<hbm>>
    tpu.enqueue_dma source(%dma_start3A_76 : memref<80xi32, #tpu.memory_space<hbm>>) target(%dma_start3A_73 : memref<80xi32, #tpu.memory_space<vmem>>) target_semaphore(%arg11 : memref<!tpu.dma_semaphore, #tpu.memory_space<semaphore_mem>>)
    %dma_start3A_77 = arith.constant 2 : i32
    %dma_start3A_78 = arith.constant 2 : i32
    %dma_start3A_79 = arith.constant 0 : i32
    %dma_start3A_80 = tpu.memref_slice %arg7[%dma_start3A_78, %dma_start3A_79] : memref<4x80xi32, #tpu.memory_space<vmem>> -> memref<1x80xi32, #tpu.memory_space<vmem>>
    %dma_start3A_81 = tpu.memref_squeeze %dma_start3A_80 : memref<1x80xi32, #tpu.memory_space<vmem>> -> memref<80xi32, #tpu.memory_space<vmem>>
    %dma_start3A_82 = arith.constant 0 : i32
    %dma_start3A_83 = tpu.memref_slice %arg4[%add3A, %dma_start3A_77, %dma_start3A_82] : memref<32x125x80xi32, #tpu.memory_space<hbm>> -> memref<1x1x80xi32, #tpu.memory_space<hbm>>
    %dma_start3A_84 = tpu.memref_squeeze %dma_start3A_83 : memref<1x1x80xi32, #tpu.memory_space<hbm>> -> memref<80xi32, #tpu.memory_space<hbm>>
    %dma_start3A_85 = arith.constant 0 : i32
    %dma_start3A_86 = tpu.memref_slice %arg7[%dma_start3A_78, %dma_start3A_85] : memref<4x80xi32, #tpu.memory_space<vmem>> -> memref<1x80xi32, #tpu.memory_space<vmem>>
    %dma_start3A_87 = tpu.memref_squeeze %dma_start3A_86 : memref<1x80xi32, #tpu.memory_space<vmem>> -> memref<80xi32, #tpu.memory_space<vmem>>
    %dma_start3A_88 = arith.constant 0 : i32
    %dma_start3A_89 = tpu.memref_slice %arg4[%add3A, %dma_start3A_77, %dma_start3A_88] : memref<32x125x80xi32, #tpu.memory_space<hbm>> -> memref<1x1x80xi32, #tpu.memory_space<hbm>>
    %dma_start3A_90 = tpu.memref_squeeze %dma_start3A_89 : memref<1x1x80xi32, #tpu.memory_space<hbm>> -> memref<80xi32, #tpu.memory_space<hbm>>
    tpu.enqueue_dma source(%dma_start3A_90 : memref<80xi32, #tpu.memory_space<hbm>>) target(%dma_start3A_87 : memref<80xi32, #tpu.memory_space<vmem>>) target_semaphore(%arg11 : memref<!tpu.dma_semaphore, #tpu.memory_space<semaphore_mem>>)
    %lt3A_91 = arith.constant 10 : i32
    %lt3A_92 = arith.cmpi slt, %arg1, %lt3A_91 : i32
    %convert_element_type3A_93 = arith.extui %lt3A_92 : i1 to i32
    %cond3A_94 = arith.constant 0 : i32
    %cond3A_95 = arith.cmpi ne, %convert_element_type3A_93, %cond3A_94 : i32
    scf.if %cond3A_95 {
      %mul3A_199 = arith.constant 1000 : i32
      %mul3A_200 = arith.muli %arg1, %mul3A_199 : i32
      %add3A_201 = arith.constant 0 : i32
      %add3A_202 = arith.addi %mul3A_200, %add3A_201 : i32
      %dma_wait3A_203 = arith.constant 0 : i32
      %dma_wait3A_204 = arith.constant 0 : i32
      %dma_wait3A_205 = arith.constant 0 : i32
      %dma_wait3A_206 = tpu.memref_slice %arg8[%dma_wait3A_203, %dma_wait3A_204, %dma_wait3A_205] : memref<3x80x128xf32, #tpu.memory_space<vmem>> -> memref<1x80x128xf32, #tpu.memory_space<vmem>>
      %dma_wait3A_207 = tpu.memref_squeeze %dma_wait3A_206 : memref<1x80x128xf32, #tpu.memory_space<vmem>> -> memref<80x128xf32, #tpu.memory_space<vmem>>
      %dma_wait3A_208 = arith.constant 0 : i32
      %dma_wait3A_209 = tpu.memref_slice %arg9[%add3A_202, %dma_wait3A_208] : memref<10000x128xf32, #tpu.memory_space<vmem_shared>> -> memref<80x128xf32, #tpu.memory_space<vmem_shared>>
      %dma_wait3A_210 = arith.constant 0 : i32
      %dma_wait3A_211 = tpu.memref_slice %arg9[%add3A_202, %dma_wait3A_210] : memref<10000x128xf32, #tpu.memory_space<vmem_shared>> -> memref<80x128xf32, #tpu.memory_space<vmem_shared>>
      %dma_wait3A_212 = arith.constant 0 : i32
      %dma_wait3A_213 = arith.constant 0 : i32
      %dma_wait3A_214 = tpu.memref_slice %arg8[%dma_wait3A_203, %dma_wait3A_212, %dma_wait3A_213] : memref<3x80x128xf32, #tpu.memory_space<vmem>> -> memref<1x80x128xf32, #tpu.memory_space<vmem>>
      %dma_wait3A_215 = tpu.memref_squeeze %dma_wait3A_214 : memref<1x80x128xf32, #tpu.memory_space<vmem>> -> memref<80x128xf32, #tpu.memory_space<vmem>>
      tpu.wait_dma2 semaphore(%arg12 : memref<!tpu.dma_semaphore, #tpu.memory_space<semaphore_mem>>) src(%dma_wait3A_215 : memref<80x128xf32, #tpu.memory_space<vmem>>) dst(%dma_wait3A_211 : memref<80x128xf32, #tpu.memory_space<vmem_shared>>)
      %mul3A_216 = arith.constant 1000 : i32
      %mul3A_217 = arith.muli %arg1, %mul3A_216 : i32
      %add3A_218 = arith.constant 80 : i32
      %add3A_219 = arith.addi %mul3A_217, %add3A_218 : i32
      %dma_wait3A_220 = arith.constant 0 : i32
      %dma_wait3A_221 = arith.constant 0 : i32
      %dma_wait3A_222 = arith.constant 0 : i32
      %dma_wait3A_223 = tpu.memref_slice %arg8[%dma_wait3A_220, %dma_wait3A_221, %dma_wait3A_222] : memref<3x80x128xf32, #tpu.memory_space<vmem>> -> memref<1x80x128xf32, #tpu.memory_space<vmem>>
      %dma_wait3A_224 = tpu.memref_squeeze %dma_wait3A_223 : memref<1x80x128xf32, #tpu.memory_space<vmem>> -> memref<80x128xf32, #tpu.memory_space<vmem>>
      %dma_wait3A_225 = arith.constant 0 : i32
      %dma_wait3A_226 = tpu.memref_slice %arg9[%add3A_219, %dma_wait3A_225] : memref<10000x128xf32, #tpu.memory_space<vmem_shared>> -> memref<80x128xf32, #tpu.memory_space<vmem_shared>>
      %dma_wait3A_227 = arith.constant 0 : i32
      %dma_wait3A_228 = tpu.memref_slice %arg9[%add3A_219, %dma_wait3A_227] : memref<10000x128xf32, #tpu.memory_space<vmem_shared>> -> memref<80x128xf32, #tpu.memory_space<vmem_shared>>
      %dma_wait3A_229 = arith.constant 0 : i32
      %dma_wait3A_230 = arith.constant 0 : i32
      %dma_wait3A_231 = tpu.memref_slice %arg8[%dma_wait3A_220, %dma_wait3A_229, %dma_wait3A_230] : memref<3x80x128xf32, #tpu.memory_space<vmem>> -> memref<1x80x128xf32, #tpu.memory_space<vmem>>
      %dma_wait3A_232 = tpu.memref_squeeze %dma_wait3A_231 : memref<1x80x128xf32, #tpu.memory_space<vmem>> -> memref<80x128xf32, #tpu.memory_space<vmem>>
      tpu.wait_dma2 semaphore(%arg12 : memref<!tpu.dma_semaphore, #tpu.memory_space<semaphore_mem>>) src(%dma_wait3A_232 : memref<80x128xf32, #tpu.memory_space<vmem>>) dst(%dma_wait3A_228 : memref<80x128xf32, #tpu.memory_space<vmem_shared>>)
      %mul3A_233 = arith.constant 1000 : i32
      %mul3A_234 = arith.muli %arg1, %mul3A_233 : i32
      %add3A_235 = arith.constant 160 : i32
      %add3A_236 = arith.addi %mul3A_234, %add3A_235 : i32
      %dma_wait3A_237 = arith.constant 0 : i32
      %dma_wait3A_238 = arith.constant 0 : i32
      %dma_wait3A_239 = arith.constant 0 : i32
      %dma_wait3A_240 = tpu.memref_slice %arg8[%dma_wait3A_237, %dma_wait3A_238, %dma_wait3A_239] : memref<3x80x128xf32, #tpu.memory_space<vmem>> -> memref<1x80x128xf32, #tpu.memory_space<vmem>>
      %dma_wait3A_241 = tpu.memref_squeeze %dma_wait3A_240 : memref<1x80x128xf32, #tpu.memory_space<vmem>> -> memref<80x128xf32, #tpu.memory_space<vmem>>
      %dma_wait3A_242 = arith.constant 0 : i32
      %dma_wait3A_243 = tpu.memref_slice %arg9[%add3A_236, %dma_wait3A_242] : memref<10000x128xf32, #tpu.memory_space<vmem_shared>> -> memref<80x128xf32, #tpu.memory_space<vmem_shared>>
      %dma_wait3A_244 = arith.constant 0 : i32
      %dma_wait3A_245 = tpu.memref_slice %arg9[%add3A_236, %dma_wait3A_244] : memref<10000x128xf32, #tpu.memory_space<vmem_shared>> -> memref<80x128xf32, #tpu.memory_space<vmem_shared>>
      %dma_wait3A_246 = arith.constant 0 : i32
      %dma_wait3A_247 = arith.constant 0 : i32
      %dma_wait3A_248 = tpu.memref_slice %arg8[%dma_wait3A_237, %dma_wait3A_246, %dma_wait3A_247] : memref<3x80x128xf32, #tpu.memory_space<vmem>> -> memref<1x80x128xf32, #tpu.memory_space<vmem>>
      %dma_wait3A_249 = tpu.memref_squeeze %dma_wait3A_248 : memref<1x80x128xf32, #tpu.memory_space<vmem>> -> memref<80x128xf32, #tpu.memory_space<vmem>>
      tpu.wait_dma2 semaphore(%arg12 : memref<!tpu.dma_semaphore, #tpu.memory_space<semaphore_mem>>) src(%dma_wait3A_249 : memref<80x128xf32, #tpu.memory_space<vmem>>) dst(%dma_wait3A_245 : memref<80x128xf32, #tpu.memory_space<vmem_shared>>)
      %mul3A_250 = arith.constant 1000 : i32
      %mul3A_251 = arith.muli %arg1, %mul3A_250 : i32
      %add3A_252 = arith.constant 240 : i32
      %add3A_253 = arith.addi %mul3A_251, %add3A_252 : i32
      %dma_wait3A_254 = arith.constant 0 : i32
      %dma_wait3A_255 = arith.constant 0 : i32
      %dma_wait3A_256 = arith.constant 0 : i32
      %dma_wait3A_257 = tpu.memref_slice %arg8[%dma_wait3A_254, %dma_wait3A_255, %dma_wait3A_256] : memref<3x80x128xf32, #tpu.memory_space<vmem>> -> memref<1x80x128xf32, #tpu.memory_space<vmem>>
      %dma_wait3A_258 = tpu.memref_squeeze %dma_wait3A_257 : memref<1x80x128xf32, #tpu.memory_space<vmem>> -> memref<80x128xf32, #tpu.memory_space<vmem>>
      %dma_wait3A_259 = arith.constant 0 : i32
      %dma_wait3A_260 = tpu.memref_slice %arg9[%add3A_253, %dma_wait3A_259] : memref<10000x128xf32, #tpu.memory_space<vmem_shared>> -> memref<80x128xf32, #tpu.memory_space<vmem_shared>>
      %dma_wait3A_261 = arith.constant 0 : i32
      %dma_wait3A_262 = tpu.memref_slice %arg9[%add3A_253, %dma_wait3A_261] : memref<10000x128xf32, #tpu.memory_space<vmem_shared>> -> memref<80x128xf32, #tpu.memory_space<vmem_shared>>
      %dma_wait3A_263 = arith.constant 0 : i32
      %dma_wait3A_264 = arith.constant 0 : i32
      %dma_wait3A_265 = tpu.memref_slice %arg8[%dma_wait3A_254, %dma_wait3A_263, %dma_wait3A_264] : memref<3x80x128xf32, #tpu.memory_space<vmem>> -> memref<1x80x128xf32, #tpu.memory_space<vmem>>
      %dma_wait3A_266 = tpu.memref_squeeze %dma_wait3A_265 : memref<1x80x128xf32, #tpu.memory_space<vmem>> -> memref<80x128xf32, #tpu.memory_space<vmem>>
      tpu.wait_dma2 semaphore(%arg12 : memref<!tpu.dma_semaphore, #tpu.memory_space<semaphore_mem>>) src(%dma_wait3A_266 : memref<80x128xf32, #tpu.memory_space<vmem>>) dst(%dma_wait3A_262 : memref<80x128xf32, #tpu.memory_space<vmem_shared>>)
      %mul3A_267 = arith.constant 1000 : i32
      %mul3A_268 = arith.muli %arg1, %mul3A_267 : i32
      %add3A_269 = arith.constant 320 : i32
      %add3A_270 = arith.addi %mul3A_268, %add3A_269 : i32
      %dma_wait3A_271 = arith.constant 0 : i32
      %dma_wait3A_272 = arith.constant 0 : i32
      %dma_wait3A_273 = arith.constant 0 : i32
      %dma_wait3A_274 = tpu.memref_slice %arg8[%dma_wait3A_271, %dma_wait3A_272, %dma_wait3A_273] : memref<3x80x128xf32, #tpu.memory_space<vmem>> -> memref<1x80x128xf32, #tpu.memory_space<vmem>>
      %dma_wait3A_275 = tpu.memref_squeeze %dma_wait3A_274 : memref<1x80x128xf32, #tpu.memory_space<vmem>> -> memref<80x128xf32, #tpu.memory_space<vmem>>
      %dma_wait3A_276 = arith.constant 0 : i32
      %dma_wait3A_277 = tpu.memref_slice %arg9[%add3A_270, %dma_wait3A_276] : memref<10000x128xf32, #tpu.memory_space<vmem_shared>> -> memref<80x128xf32, #tpu.memory_space<vmem_shared>>
      %dma_wait3A_278 = arith.constant 0 : i32
      %dma_wait3A_279 = tpu.memref_slice %arg9[%add3A_270, %dma_wait3A_278] : memref<10000x128xf32, #tpu.memory_space<vmem_shared>> -> memref<80x128xf32, #tpu.memory_space<vmem_shared>>
      %dma_wait3A_280 = arith.constant 0 : i32
      %dma_wait3A_281 = arith.constant 0 : i32
      %dma_wait3A_282 = tpu.memref_slice %arg8[%dma_wait3A_271, %dma_wait3A_280, %dma_wait3A_281] : memref<3x80x128xf32, #tpu.memory_space<vmem>> -> memref<1x80x128xf32, #tpu.memory_space<vmem>>
      %dma_wait3A_283 = tpu.memref_squeeze %dma_wait3A_282 : memref<1x80x128xf32, #tpu.memory_space<vmem>> -> memref<80x128xf32, #tpu.memory_space<vmem>>
      tpu.wait_dma2 semaphore(%arg12 : memref<!tpu.dma_semaphore, #tpu.memory_space<semaphore_mem>>) src(%dma_wait3A_283 : memref<80x128xf32, #tpu.memory_space<vmem>>) dst(%dma_wait3A_279 : memref<80x128xf32, #tpu.memory_space<vmem_shared>>)
      %mul3A_284 = arith.constant 1000 : i32
      %mul3A_285 = arith.muli %arg1, %mul3A_284 : i32
      %add3A_286 = arith.constant 400 : i32
      %add3A_287 = arith.addi %mul3A_285, %add3A_286 : i32
      %dma_wait3A_288 = arith.constant 0 : i32
      %dma_wait3A_289 = arith.constant 0 : i32
      %dma_wait3A_290 = arith.constant 0 : i32
      %dma_wait3A_291 = tpu.memref_slice %arg8[%dma_wait3A_288, %dma_wait3A_289, %dma_wait3A_290] : memref<3x80x128xf32, #tpu.memory_space<vmem>> -> memref<1x80x128xf32, #tpu.memory_space<vmem>>
      %dma_wait3A_292 = tpu.memref_squeeze %dma_wait3A_291 : memref<1x80x128xf32, #tpu.memory_space<vmem>> -> memref<80x128xf32, #tpu.memory_space<vmem>>
      %dma_wait3A_293 = arith.constant 0 : i32
      %dma_wait3A_294 = tpu.memref_slice %arg9[%add3A_287, %dma_wait3A_293] : memref<10000x128xf32, #tpu.memory_space<vmem_shared>> -> memref<80x128xf32, #tpu.memory_space<vmem_shared>>
      %dma_wait3A_295 = arith.constant 0 : i32
      %dma_wait3A_296 = tpu.memref_slice %arg9[%add3A_287, %dma_wait3A_295] : memref<10000x128xf32, #tpu.memory_space<vmem_shared>> -> memref<80x128xf32, #tpu.memory_space<vmem_shared>>
      %dma_wait3A_297 = arith.constant 0 : i32
      %dma_wait3A_298 = arith.constant 0 : i32
      %dma_wait3A_299 = tpu.memref_slice %arg8[%dma_wait3A_288, %dma_wait3A_297, %dma_wait3A_298] : memref<3x80x128xf32, #tpu.memory_space<vmem>> -> memref<1x80x128xf32, #tpu.memory_space<vmem>>
      %dma_wait3A_300 = tpu.memref_squeeze %dma_wait3A_299 : memref<1x80x128xf32, #tpu.memory_space<vmem>> -> memref<80x128xf32, #tpu.memory_space<vmem>>
      tpu.wait_dma2 semaphore(%arg12 : memref<!tpu.dma_semaphore, #tpu.memory_space<semaphore_mem>>) src(%dma_wait3A_300 : memref<80x128xf32, #tpu.memory_space<vmem>>) dst(%dma_wait3A_296 : memref<80x128xf32, #tpu.memory_space<vmem_shared>>)
      %mul3A_301 = arith.constant 1000 : i32
      %mul3A_302 = arith.muli %arg1, %mul3A_301 : i32
      %add3A_303 = arith.constant 480 : i32
      %add3A_304 = arith.addi %mul3A_302, %add3A_303 : i32
      %dma_wait3A_305 = arith.constant 0 : i32
      %dma_wait3A_306 = arith.constant 0 : i32
      %dma_wait3A_307 = arith.constant 0 : i32
      %dma_wait3A_308 = tpu.memref_slice %arg8[%dma_wait3A_305, %dma_wait3A_306, %dma_wait3A_307] : memref<3x80x128xf32, #tpu.memory_space<vmem>> -> memref<1x80x128xf32, #tpu.memory_space<vmem>>
      %dma_wait3A_309 = tpu.memref_squeeze %dma_wait3A_308 : memref<1x80x128xf32, #tpu.memory_space<vmem>> -> memref<80x128xf32, #tpu.memory_space<vmem>>
      %dma_wait3A_310 = arith.constant 0 : i32
      %dma_wait3A_311 = tpu.memref_slice %arg9[%add3A_304, %dma_wait3A_310] : memref<10000x128xf32, #tpu.memory_space<vmem_shared>> -> memref<80x128xf32, #tpu.memory_space<vmem_shared>>
      %dma_wait3A_312 = arith.constant 0 : i32
      %dma_wait3A_313 = tpu.memref_slice %arg9[%add3A_304, %dma_wait3A_312] : memref<10000x128xf32, #tpu.memory_space<vmem_shared>> -> memref<80x128xf32, #tpu.memory_space<vmem_shared>>
      %dma_wait3A_314 = arith.constant 0 : i32
      %dma_wait3A_315 = arith.constant 0 : i32
      %dma_wait3A_316 = tpu.memref_slice %arg8[%dma_wait3A_305, %dma_wait3A_314, %dma_wait3A_315] : memref<3x80x128xf32, #tpu.memory_space<vmem>> -> memref<1x80x128xf32, #tpu.memory_space<vmem>>
      %dma_wait3A_317 = tpu.memref_squeeze %dma_wait3A_316 : memref<1x80x128xf32, #tpu.memory_space<vmem>> -> memref<80x128xf32, #tpu.memory_space<vmem>>
      tpu.wait_dma2 semaphore(%arg12 : memref<!tpu.dma_semaphore, #tpu.memory_space<semaphore_mem>>) src(%dma_wait3A_317 : memref<80x128xf32, #tpu.memory_space<vmem>>) dst(%dma_wait3A_313 : memref<80x128xf32, #tpu.memory_space<vmem_shared>>)
      %mul3A_318 = arith.constant 1000 : i32
      %mul3A_319 = arith.muli %arg1, %mul3A_318 : i32
      %add3A_320 = arith.constant 560 : i32
      %add3A_321 = arith.addi %mul3A_319, %add3A_320 : i32
      %dma_wait3A_322 = arith.constant 0 : i32
      %dma_wait3A_323 = arith.constant 0 : i32
      %dma_wait3A_324 = arith.constant 0 : i32
      %dma_wait3A_325 = tpu.memref_slice %arg8[%dma_wait3A_322, %dma_wait3A_323, %dma_wait3A_324] : memref<3x80x128xf32, #tpu.memory_space<vmem>> -> memref<1x80x128xf32, #tpu.memory_space<vmem>>
      %dma_wait3A_326 = tpu.memref_squeeze %dma_wait3A_325 : memref<1x80x128xf32, #tpu.memory_space<vmem>> -> memref<80x128xf32, #tpu.memory_space<vmem>>
      %dma_wait3A_327 = arith.constant 0 : i32
      %dma_wait3A_328 = tpu.memref_slice %arg9[%add3A_321, %dma_wait3A_327] : memref<10000x128xf32, #tpu.memory_space<vmem_shared>> -> memref<80x128xf32, #tpu.memory_space<vmem_shared>>
      %dma_wait3A_329 = arith.constant 0 : i32
      %dma_wait3A_330 = tpu.memref_slice %arg9[%add3A_321, %dma_wait3A_329] : memref<10000x128xf32, #tpu.memory_space<vmem_shared>> -> memref<80x128xf32, #tpu.memory_space<vmem_shared>>
      %dma_wait3A_331 = arith.constant 0 : i32
      %dma_wait3A_332 = arith.constant 0 : i32
      %dma_wait3A_333 = tpu.memref_slice %arg8[%dma_wait3A_322, %dma_wait3A_331, %dma_wait3A_332] : memref<3x80x128xf32, #tpu.memory_space<vmem>> -> memref<1x80x128xf32, #tpu.memory_space<vmem>>
      %dma_wait3A_334 = tpu.memref_squeeze %dma_wait3A_333 : memref<1x80x128xf32, #tpu.memory_space<vmem>> -> memref<80x128xf32, #tpu.memory_space<vmem>>
      tpu.wait_dma2 semaphore(%arg12 : memref<!tpu.dma_semaphore, #tpu.memory_space<semaphore_mem>>) src(%dma_wait3A_334 : memref<80x128xf32, #tpu.memory_space<vmem>>) dst(%dma_wait3A_330 : memref<80x128xf32, #tpu.memory_space<vmem_shared>>)
      %mul3A_335 = arith.constant 1000 : i32
      %mul3A_336 = arith.muli %arg1, %mul3A_335 : i32
      %add3A_337 = arith.constant 640 : i32
      %add3A_338 = arith.addi %mul3A_336, %add3A_337 : i32
      %dma_wait3A_339 = arith.constant 0 : i32
      %dma_wait3A_340 = arith.constant 0 : i32
      %dma_wait3A_341 = arith.constant 0 : i32
      %dma_wait3A_342 = tpu.memref_slice %arg8[%dma_wait3A_339, %dma_wait3A_340, %dma_wait3A_341] : memref<3x80x128xf32, #tpu.memory_space<vmem>> -> memref<1x80x128xf32, #tpu.memory_space<vmem>>
      %dma_wait3A_343 = tpu.memref_squeeze %dma_wait3A_342 : memref<1x80x128xf32, #tpu.memory_space<vmem>> -> memref<80x128xf32, #tpu.memory_space<vmem>>
      %dma_wait3A_344 = arith.constant 0 : i32
      %dma_wait3A_345 = tpu.memref_slice %arg9[%add3A_338, %dma_wait3A_344] : memref<10000x128xf32, #tpu.memory_space<vmem_shared>> -> memref<80x128xf32, #tpu.memory_space<vmem_shared>>
      %dma_wait3A_346 = arith.constant 0 : i32
      %dma_wait3A_347 = tpu.memref_slice %arg9[%add3A_338, %dma_wait3A_346] : memref<10000x128xf32, #tpu.memory_space<vmem_shared>> -> memref<80x128xf32, #tpu.memory_space<vmem_shared>>
      %dma_wait3A_348 = arith.constant 0 : i32
      %dma_wait3A_349 = arith.constant 0 : i32
      %dma_wait3A_350 = tpu.memref_slice %arg8[%dma_wait3A_339, %dma_wait3A_348, %dma_wait3A_349] : memref<3x80x128xf32, #tpu.memory_space<vmem>> -> memref<1x80x128xf32, #tpu.memory_space<vmem>>
      %dma_wait3A_351 = tpu.memref_squeeze %dma_wait3A_350 : memref<1x80x128xf32, #tpu.memory_space<vmem>> -> memref<80x128xf32, #tpu.memory_space<vmem>>
      tpu.wait_dma2 semaphore(%arg12 : memref<!tpu.dma_semaphore, #tpu.memory_space<semaphore_mem>>) src(%dma_wait3A_351 : memref<80x128xf32, #tpu.memory_space<vmem>>) dst(%dma_wait3A_347 : memref<80x128xf32, #tpu.memory_space<vmem_shared>>)
      %mul3A_352 = arith.constant 1000 : i32
      %mul3A_353 = arith.muli %arg1, %mul3A_352 : i32
      %add3A_354 = arith.constant 720 : i32
      %add3A_355 = arith.addi %mul3A_353, %add3A_354 : i32
      %dma_wait3A_356 = arith.constant 0 : i32
      %dma_wait3A_357 = arith.constant 0 : i32
      %dma_wait3A_358 = arith.constant 0 : i32
      %dma_wait3A_359 = tpu.memref_slice %arg8[%dma_wait3A_356, %dma_wait3A_357, %dma_wait3A_358] : memref<3x80x128xf32, #tpu.memory_space<vmem>> -> memref<1x80x128xf32, #tpu.memory_space<vmem>>
      %dma_wait3A_360 = tpu.memref_squeeze %dma_wait3A_359 : memref<1x80x128xf32, #tpu.memory_space<vmem>> -> memref<80x128xf32, #tpu.memory_space<vmem>>
      %dma_wait3A_361 = arith.constant 0 : i32
      %dma_wait3A_362 = tpu.memref_slice %arg9[%add3A_355, %dma_wait3A_361] : memref<10000x128xf32, #tpu.memory_space<vmem_shared>> -> memref<80x128xf32, #tpu.memory_space<vmem_shared>>
      %dma_wait3A_363 = arith.constant 0 : i32
      %dma_wait3A_364 = tpu.memref_slice %arg9[%add3A_355, %dma_wait3A_363] : memref<10000x128xf32, #tpu.memory_space<vmem_shared>> -> memref<80x128xf32, #tpu.memory_space<vmem_shared>>
      %dma_wait3A_365 = arith.constant 0 : i32
      %dma_wait3A_366 = arith.constant 0 : i32
      %dma_wait3A_367 = tpu.memref_slice %arg8[%dma_wait3A_356, %dma_wait3A_365, %dma_wait3A_366] : memref<3x80x128xf32, #tpu.memory_space<vmem>> -> memref<1x80x128xf32, #tpu.memory_space<vmem>>
      %dma_wait3A_368 = tpu.memref_squeeze %dma_wait3A_367 : memref<1x80x128xf32, #tpu.memory_space<vmem>> -> memref<80x128xf32, #tpu.memory_space<vmem>>
      tpu.wait_dma2 semaphore(%arg12 : memref<!tpu.dma_semaphore, #tpu.memory_space<semaphore_mem>>) src(%dma_wait3A_368 : memref<80x128xf32, #tpu.memory_space<vmem>>) dst(%dma_wait3A_364 : memref<80x128xf32, #tpu.memory_space<vmem_shared>>)
      %mul3A_369 = arith.constant 1000 : i32
      %mul3A_370 = arith.muli %arg1, %mul3A_369 : i32
      %add3A_371 = arith.constant 800 : i32
      %add3A_372 = arith.addi %mul3A_370, %add3A_371 : i32
      %dma_wait3A_373 = arith.constant 0 : i32
      %dma_wait3A_374 = arith.constant 0 : i32
      %dma_wait3A_375 = arith.constant 0 : i32
      %dma_wait3A_376 = tpu.memref_slice %arg8[%dma_wait3A_373, %dma_wait3A_374, %dma_wait3A_375] : memref<3x80x128xf32, #tpu.memory_space<vmem>> -> memref<1x80x128xf32, #tpu.memory_space<vmem>>
      %dma_wait3A_377 = tpu.memref_squeeze %dma_wait3A_376 : memref<1x80x128xf32, #tpu.memory_space<vmem>> -> memref<80x128xf32, #tpu.memory_space<vmem>>
      %dma_wait3A_378 = arith.constant 0 : i32
      %dma_wait3A_379 = tpu.memref_slice %arg9[%add3A_372, %dma_wait3A_378] : memref<10000x128xf32, #tpu.memory_space<vmem_shared>> -> memref<80x128xf32, #tpu.memory_space<vmem_shared>>
      %dma_wait3A_380 = arith.constant 0 : i32
      %dma_wait3A_381 = tpu.memref_slice %arg9[%add3A_372, %dma_wait3A_380] : memref<10000x128xf32, #tpu.memory_space<vmem_shared>> -> memref<80x128xf32, #tpu.memory_space<vmem_shared>>
      %dma_wait3A_382 = arith.constant 0 : i32
      %dma_wait3A_383 = arith.constant 0 : i32
      %dma_wait3A_384 = tpu.memref_slice %arg8[%dma_wait3A_373, %dma_wait3A_382, %dma_wait3A_383] : memref<3x80x128xf32, #tpu.memory_space<vmem>> -> memref<1x80x128xf32, #tpu.memory_space<vmem>>
      %dma_wait3A_385 = tpu.memref_squeeze %dma_wait3A_384 : memref<1x80x128xf32, #tpu.memory_space<vmem>> -> memref<80x128xf32, #tpu.memory_space<vmem>>
      tpu.wait_dma2 semaphore(%arg12 : memref<!tpu.dma_semaphore, #tpu.memory_space<semaphore_mem>>) src(%dma_wait3A_385 : memref<80x128xf32, #tpu.memory_space<vmem>>) dst(%dma_wait3A_381 : memref<80x128xf32, #tpu.memory_space<vmem_shared>>)
      %mul3A_386 = arith.constant 1000 : i32
      %mul3A_387 = arith.muli %arg1, %mul3A_386 : i32
      %add3A_388 = arith.constant 880 : i32
      %add3A_389 = arith.addi %mul3A_387, %add3A_388 : i32
      %dma_wait3A_390 = arith.constant 0 : i32
      %dma_wait3A_391 = arith.constant 0 : i32
      %dma_wait3A_392 = arith.constant 0 : i32
      %dma_wait3A_393 = tpu.memref_slice %arg8[%dma_wait3A_390, %dma_wait3A_391, %dma_wait3A_392] : memref<3x80x128xf32, #tpu.memory_space<vmem>> -> memref<1x80x128xf32, #tpu.memory_space<vmem>>
      %dma_wait3A_394 = tpu.memref_squeeze %dma_wait3A_393 : memref<1x80x128xf32, #tpu.memory_space<vmem>> -> memref<80x128xf32, #tpu.memory_space<vmem>>
      %dma_wait3A_395 = arith.constant 0 : i32
      %dma_wait3A_396 = tpu.memref_slice %arg9[%add3A_389, %dma_wait3A_395] : memref<10000x128xf32, #tpu.memory_space<vmem_shared>> -> memref<80x128xf32, #tpu.memory_space<vmem_shared>>
      %dma_wait3A_397 = arith.constant 0 : i32
      %dma_wait3A_398 = tpu.memref_slice %arg9[%add3A_389, %dma_wait3A_397] : memref<10000x128xf32, #tpu.memory_space<vmem_shared>> -> memref<80x128xf32, #tpu.memory_space<vmem_shared>>
      %dma_wait3A_399 = arith.constant 0 : i32
      %dma_wait3A_400 = arith.constant 0 : i32
      %dma_wait3A_401 = tpu.memref_slice %arg8[%dma_wait3A_390, %dma_wait3A_399, %dma_wait3A_400] : memref<3x80x128xf32, #tpu.memory_space<vmem>> -> memref<1x80x128xf32, #tpu.memory_space<vmem>>
      %dma_wait3A_402 = tpu.memref_squeeze %dma_wait3A_401 : memref<1x80x128xf32, #tpu.memory_space<vmem>> -> memref<80x128xf32, #tpu.memory_space<vmem>>
      tpu.wait_dma2 semaphore(%arg12 : memref<!tpu.dma_semaphore, #tpu.memory_space<semaphore_mem>>) src(%dma_wait3A_402 : memref<80x128xf32, #tpu.memory_space<vmem>>) dst(%dma_wait3A_398 : memref<80x128xf32, #tpu.memory_space<vmem_shared>>)
      %mul3A_403 = arith.constant 1000 : i32
      %mul3A_404 = arith.muli %arg1, %mul3A_403 : i32
      %add3A_405 = arith.constant 960 : i32
      %add3A_406 = arith.addi %mul3A_404, %add3A_405 : i32
      %dma_wait3A_407 = arith.constant 0 : i32
      %dma_wait3A_408 = arith.constant 0 : i32
      %dma_wait3A_409 = arith.constant 0 : i32
      %dma_wait3A_410 = tpu.memref_slice %arg8[%dma_wait3A_407, %dma_wait3A_408, %dma_wait3A_409] : memref<3x80x128xf32, #tpu.memory_space<vmem>> -> memref<1x40x128xf32, #tpu.memory_space<vmem>>
      %dma_wait3A_411 = tpu.memref_squeeze %dma_wait3A_410 : memref<1x40x128xf32, #tpu.memory_space<vmem>> -> memref<40x128xf32, #tpu.memory_space<vmem>>
      %dma_wait3A_412 = arith.constant 0 : i32
      %dma_wait3A_413 = tpu.memref_slice %arg9[%add3A_406, %dma_wait3A_412] : memref<10000x128xf32, #tpu.memory_space<vmem_shared>> -> memref<40x128xf32, #tpu.memory_space<vmem_shared>>
      %dma_wait3A_414 = arith.constant 0 : i32
      %dma_wait3A_415 = tpu.memref_slice %arg9[%add3A_406, %dma_wait3A_414] : memref<10000x128xf32, #tpu.memory_space<vmem_shared>> -> memref<40x128xf32, #tpu.memory_space<vmem_shared>>
      %dma_wait3A_416 = arith.constant 0 : i32
      %dma_wait3A_417 = arith.constant 0 : i32
      %dma_wait3A_418 = tpu.memref_slice %arg8[%dma_wait3A_407, %dma_wait3A_416, %dma_wait3A_417] : memref<3x80x128xf32, #tpu.memory_space<vmem>> -> memref<1x40x128xf32, #tpu.memory_space<vmem>>
      %dma_wait3A_419 = tpu.memref_squeeze %dma_wait3A_418 : memref<1x40x128xf32, #tpu.memory_space<vmem>> -> memref<40x128xf32, #tpu.memory_space<vmem>>
      tpu.wait_dma2 semaphore(%arg12 : memref<!tpu.dma_semaphore, #tpu.memory_space<semaphore_mem>>) src(%dma_wait3A_419 : memref<40x128xf32, #tpu.memory_space<vmem>>) dst(%dma_wait3A_415 : memref<40x128xf32, #tpu.memory_space<vmem_shared>>)
    } else {
    }
    %dma_wait3A = arith.constant 0 : i32
    %dma_wait3A_96 = arith.constant 0 : i32
    %dma_wait3A_97 = arith.constant 0 : i32
    %dma_wait3A_98 = tpu.memref_slice %arg6[%dma_wait3A_96, %dma_wait3A_97] : memref<4x80xi32, #tpu.memory_space<vmem>> -> memref<1x80xi32, #tpu.memory_space<vmem>>
    %dma_wait3A_99 = tpu.memref_squeeze %dma_wait3A_98 : memref<1x80xi32, #tpu.memory_space<vmem>> -> memref<80xi32, #tpu.memory_space<vmem>>
    %dma_wait3A_100 = arith.constant 0 : i32
    %dma_wait3A_101 = tpu.memref_slice %arg3[%add3A, %dma_wait3A, %dma_wait3A_100] : memref<32x125x80xi32, #tpu.memory_space<hbm>> -> memref<1x1x80xi32, #tpu.memory_space<hbm>>
    %dma_wait3A_102 = tpu.memref_squeeze %dma_wait3A_101 : memref<1x1x80xi32, #tpu.memory_space<hbm>> -> memref<80xi32, #tpu.memory_space<hbm>>
    %dma_wait3A_103 = arith.constant 0 : i32
    %dma_wait3A_104 = tpu.memref_slice %arg6[%dma_wait3A_96, %dma_wait3A_103] : memref<4x80xi32, #tpu.memory_space<vmem>> -> memref<1x80xi32, #tpu.memory_space<vmem>>
    %dma_wait3A_105 = tpu.memref_squeeze %dma_wait3A_104 : memref<1x80xi32, #tpu.memory_space<vmem>> -> memref<80xi32, #tpu.memory_space<vmem>>
    %dma_wait3A_106 = arith.constant 0 : i32
    %dma_wait3A_107 = tpu.memref_slice %arg3[%add3A, %dma_wait3A, %dma_wait3A_106] : memref<32x125x80xi32, #tpu.memory_space<hbm>> -> memref<1x1x80xi32, #tpu.memory_space<hbm>>
    %dma_wait3A_108 = tpu.memref_squeeze %dma_wait3A_107 : memref<1x1x80xi32, #tpu.memory_space<hbm>> -> memref<80xi32, #tpu.memory_space<hbm>>
    tpu.wait_dma2 semaphore(%arg11 : memref<!tpu.dma_semaphore, #tpu.memory_space<semaphore_mem>>) src(%dma_wait3A_108 : memref<80xi32, #tpu.memory_space<hbm>>) dst(%dma_wait3A_105 : memref<80xi32, #tpu.memory_space<vmem>>)
    %dma_wait3A_109 = arith.constant 0 : i32
    %dma_wait3A_110 = arith.constant 0 : i32
    %dma_wait3A_111 = arith.constant 0 : i32
    %dma_wait3A_112 = tpu.memref_slice %arg7[%dma_wait3A_110, %dma_wait3A_111] : memref<4x80xi32, #tpu.memory_space<vmem>> -> memref<1x80xi32, #tpu.memory_space<vmem>>
    %dma_wait3A_113 = tpu.memref_squeeze %dma_wait3A_112 : memref<1x80xi32, #tpu.memory_space<vmem>> -> memref<80xi32, #tpu.memory_space<vmem>>
    %dma_wait3A_114 = arith.constant 0 : i32
    %dma_wait3A_115 = tpu.memref_slice %arg4[%add3A, %dma_wait3A_109, %dma_wait3A_114] : memref<32x125x80xi32, #tpu.memory_space<hbm>> -> memref<1x1x80xi32, #tpu.memory_space<hbm>>
    %dma_wait3A_116 = tpu.memref_squeeze %dma_wait3A_115 : memref<1x1x80xi32, #tpu.memory_space<hbm>> -> memref<80xi32, #tpu.memory_space<hbm>>
    %dma_wait3A_117 = arith.constant 0 : i32
    %dma_wait3A_118 = tpu.memref_slice %arg7[%dma_wait3A_110, %dma_wait3A_117] : memref<4x80xi32, #tpu.memory_space<vmem>> -> memref<1x80xi32, #tpu.memory_space<vmem>>
    %dma_wait3A_119 = tpu.memref_squeeze %dma_wait3A_118 : memref<1x80xi32, #tpu.memory_space<vmem>> -> memref<80xi32, #tpu.memory_space<vmem>>
    %dma_wait3A_120 = arith.constant 0 : i32
    %dma_wait3A_121 = tpu.memref_slice %arg4[%add3A, %dma_wait3A_109, %dma_wait3A_120] : memref<32x125x80xi32, #tpu.memory_space<hbm>> -> memref<1x1x80xi32, #tpu.memory_space<hbm>>
    %dma_wait3A_122 = tpu.memref_squeeze %dma_wait3A_121 : memref<1x1x80xi32, #tpu.memory_space<hbm>> -> memref<80xi32, #tpu.memory_space<hbm>>
    tpu.wait_dma2 semaphore(%arg11 : memref<!tpu.dma_semaphore, #tpu.memory_space<semaphore_mem>>) src(%dma_wait3A_122 : memref<80xi32, #tpu.memory_space<hbm>>) dst(%dma_wait3A_119 : memref<80xi32, #tpu.memory_space<vmem>>)
    %dma_start3A_123 = arith.constant 0 : i32
    %dma_start3A_124 = arith.constant 0 : i32
    %dma_start3A_125 = arith.constant 0 : i32
    %dma_start3A_126 = arith.constant 0 : i32
    %dma_start3A_127 = tpu.memref_slice %arg8[%dma_start3A_124, %dma_start3A_125, %dma_start3A_126] : memref<3x80x128xf32, #tpu.memory_space<vmem>> -> memref<1x80x128xf32, #tpu.memory_space<vmem>>
    %dma_start3A_128 = tpu.memref_squeeze %dma_start3A_127 : memref<1x80x128xf32, #tpu.memory_space<vmem>> -> memref<80x128xf32, #tpu.memory_space<vmem>>
    %dma_start3A_129 = arith.constant 0 : i32
    %dma_start3A_130 = tpu.memref_slice %arg6[%dma_start3A_123, %dma_start3A_129] : memref<4x80xi32, #tpu.memory_space<vmem>> -> memref<1x80xi32, #tpu.memory_space<vmem>>
    %dma_start3A_131 = tpu.memref_squeeze %dma_start3A_130 : memref<1x80xi32, #tpu.memory_space<vmem>> -> memref<80xi32, #tpu.memory_space<vmem>>
    %dma_start3A_132 = arith.constant 0 : i32
    %dma_start3A_133 = arith.constant 0 : i32
    %dma_start3A_134 = tpu.memref_slice %arg2[%dma_start3A_132, %dma_start3A_133] : memref<10000x128xf32, #tpu.memory_space<hbm>> -> memref<10000x128xf32, #tpu.memory_space<hbm>>
    tpu.enqueue_indirect_dma source(%dma_start3A_134 : memref<10000x128xf32, #tpu.memory_space<hbm>>) target(%dma_start3A_128 : memref<80x128xf32, #tpu.memory_space<vmem>>) offsets(%dma_start3A_131 : memref<80xi32, #tpu.memory_space<vmem>>) semaphore(%arg10 : memref<!tpu.dma_semaphore, #tpu.memory_space<semaphore_mem>>)
    %dma_wait3A_135 = arith.constant 1 : i32
    %dma_wait3A_136 = arith.constant 1 : i32
    %dma_wait3A_137 = arith.constant 0 : i32
    %dma_wait3A_138 = tpu.memref_slice %arg6[%dma_wait3A_136, %dma_wait3A_137] : memref<4x80xi32, #tpu.memory_space<vmem>> -> memref<1x80xi32, #tpu.memory_space<vmem>>
    %dma_wait3A_139 = tpu.memref_squeeze %dma_wait3A_138 : memref<1x80xi32, #tpu.memory_space<vmem>> -> memref<80xi32, #tpu.memory_space<vmem>>
    %dma_wait3A_140 = arith.constant 0 : i32
    %dma_wait3A_141 = tpu.memref_slice %arg3[%add3A, %dma_wait3A_135, %dma_wait3A_140] : memref<32x125x80xi32, #tpu.memory_space<hbm>> -> memref<1x1x80xi32, #tpu.memory_space<hbm>>
    %dma_wait3A_142 = tpu.memref_squeeze %dma_wait3A_141 : memref<1x1x80xi32, #tpu.memory_space<hbm>> -> memref<80xi32, #tpu.memory_space<hbm>>
    %dma_wait3A_143 = arith.constant 0 : i32
    %dma_wait3A_144 = tpu.memref_slice %arg6[%dma_wait3A_136, %dma_wait3A_143] : memref<4x80xi32, #tpu.memory_space<vmem>> -> memref<1x80xi32, #tpu.memory_space<vmem>>
    %dma_wait3A_145 = tpu.memref_squeeze %dma_wait3A_144 : memref<1x80xi32, #tpu.memory_space<vmem>> -> memref<80xi32, #tpu.memory_space<vmem>>
    %dma_wait3A_146 = arith.constant 0 : i32
    %dma_wait3A_147 = tpu.memref_slice %arg3[%add3A, %dma_wait3A_135, %dma_wait3A_146] : memref<32x125x80xi32, #tpu.memory_space<hbm>> -> memref<1x1x80xi32, #tpu.memory_space<hbm>>
    %dma_wait3A_148 = tpu.memref_squeeze %dma_wait3A_147 : memref<1x1x80xi32, #tpu.memory_space<hbm>> -> memref<80xi32, #tpu.memory_space<hbm>>
    tpu.wait_dma2 semaphore(%arg11 : memref<!tpu.dma_semaphore, #tpu.memory_space<semaphore_mem>>) src(%dma_wait3A_148 : memref<80xi32, #tpu.memory_space<hbm>>) dst(%dma_wait3A_145 : memref<80xi32, #tpu.memory_space<vmem>>)
    %dma_wait3A_149 = arith.constant 1 : i32
    %dma_wait3A_150 = arith.constant 1 : i32
    %dma_wait3A_151 = arith.constant 0 : i32
    %dma_wait3A_152 = tpu.memref_slice %arg7[%dma_wait3A_150, %dma_wait3A_151] : memref<4x80xi32, #tpu.memory_space<vmem>> -> memref<1x80xi32, #tpu.memory_space<vmem>>
    %dma_wait3A_153 = tpu.memref_squeeze %dma_wait3A_152 : memref<1x80xi32, #tpu.memory_space<vmem>> -> memref<80xi32, #tpu.memory_space<vmem>>
    %dma_wait3A_154 = arith.constant 0 : i32
    %dma_wait3A_155 = tpu.memref_slice %arg4[%add3A, %dma_wait3A_149, %dma_wait3A_154] : memref<32x125x80xi32, #tpu.memory_space<hbm>> -> memref<1x1x80xi32, #tpu.memory_space<hbm>>
    %dma_wait3A_156 = tpu.memref_squeeze %dma_wait3A_155 : memref<1x1x80xi32, #tpu.memory_space<hbm>> -> memref<80xi32, #tpu.memory_space<hbm>>
    %dma_wait3A_157 = arith.constant 0 : i32
    %dma_wait3A_158 = tpu.memref_slice %arg7[%dma_wait3A_150, %dma_wait3A_157] : memref<4x80xi32, #tpu.memory_space<vmem>> -> memref<1x80xi32, #tpu.memory_space<vmem>>
    %dma_wait3A_159 = tpu.memref_squeeze %dma_wait3A_158 : memref<1x80xi32, #tpu.memory_space<vmem>> -> memref<80xi32, #tpu.memory_space<vmem>>
    %dma_wait3A_160 = arith.constant 0 : i32
    %dma_wait3A_161 = tpu.memref_slice %arg4[%add3A, %dma_wait3A_149, %dma_wait3A_160] : memref<32x125x80xi32, #tpu.memory_space<hbm>> -> memref<1x1x80xi32, #tpu.memory_space<hbm>>
    %dma_wait3A_162 = tpu.memref_squeeze %dma_wait3A_161 : memref<1x1x80xi32, #tpu.memory_space<hbm>> -> memref<80xi32, #tpu.memory_space<hbm>>
    tpu.wait_dma2 semaphore(%arg11 : memref<!tpu.dma_semaphore, #tpu.memory_space<semaphore_mem>>) src(%dma_wait3A_162 : memref<80xi32, #tpu.memory_space<hbm>>) dst(%dma_wait3A_159 : memref<80xi32, #tpu.memory_space<vmem>>)
    %dma_start3A_163 = arith.constant 1 : i32
    %dma_start3A_164 = arith.constant 1 : i32
    %dma_start3A_165 = arith.constant 0 : i32
    %dma_start3A_166 = arith.constant 0 : i32
    %dma_start3A_167 = tpu.memref_slice %arg8[%dma_start3A_164, %dma_start3A_165, %dma_start3A_166] : memref<3x80x128xf32, #tpu.memory_space<vmem>> -> memref<1x80x128xf32, #tpu.memory_space<vmem>>
    %dma_start3A_168 = tpu.memref_squeeze %dma_start3A_167 : memref<1x80x128xf32, #tpu.memory_space<vmem>> -> memref<80x128xf32, #tpu.memory_space<vmem>>
    %dma_start3A_169 = arith.constant 0 : i32
    %dma_start3A_170 = tpu.memref_slice %arg6[%dma_start3A_163, %dma_start3A_169] : memref<4x80xi32, #tpu.memory_space<vmem>> -> memref<1x80xi32, #tpu.memory_space<vmem>>
    %dma_start3A_171 = tpu.memref_squeeze %dma_start3A_170 : memref<1x80xi32, #tpu.memory_space<vmem>> -> memref<80xi32, #tpu.memory_space<vmem>>
    %dma_start3A_172 = arith.constant 0 : i32
    %dma_start3A_173 = arith.constant 0 : i32
    %dma_start3A_174 = tpu.memref_slice %arg2[%dma_start3A_172, %dma_start3A_173] : memref<10000x128xf32, #tpu.memory_space<hbm>> -> memref<10000x128xf32, #tpu.memory_space<hbm>>
    tpu.enqueue_indirect_dma source(%dma_start3A_174 : memref<10000x128xf32, #tpu.memory_space<hbm>>) target(%dma_start3A_168 : memref<80x128xf32, #tpu.memory_space<vmem>>) offsets(%dma_start3A_171 : memref<80xi32, #tpu.memory_space<vmem>>) semaphore(%arg10 : memref<!tpu.dma_semaphore, #tpu.memory_space<semaphore_mem>>)
    %barrier3A = arith.constant 0 : index
    tpu.barrier barrier_id(%barrier3A)
    %scan3A_175 = arith.constant 0 : i32
    %scan3A_176 = arith.constant 0 : i32
    %scan3A_177 = arith.constant 125 : i32
    %scan3A_178 = arith.addi %scan3A_176, %scan3A_177 : i32
    %scan3A_179 = arith.constant 1 : i32
    scf.for %scan3A_199 = %scan3A_176 to %scan3A_178 step %scan3A_179  : i32 {
      %jit3A = arith.constant 4 : i32
      %eq3A = arith.constant 0 : i32
      %eq3A_200 = arith.cmpi eq, %jit3A, %eq3A : i32
      %jit3A_201 = arith.constant 1 : i32
      %select_n3A = arith.select %eq3A_200, %jit3A_201, %jit3A : i32
      %rem3A = arith.remsi %scan3A_199, %select_n3A : i32
      %ne3A = arith.constant 0 : i32
      %ne3A_202 = arith.cmpi ne, %rem3A, %ne3A : i32
      %lt3A_203 = arith.constant 0 : i32
      %lt3A_204 = arith.cmpi slt, %rem3A, %lt3A_203 : i32
      %lt3A_205 = arith.constant 0 : i32
      %lt3A_206 = arith.cmpi slt, %select_n3A, %lt3A_205 : i32
      %ne3A_207 = arith.xori %lt3A_204, %lt3A_206 : i1
      %and3A = arith.andi %ne3A_207, %ne3A_202 : i1
      %add3A_208 = arith.addi %rem3A, %select_n3A : i32
      %select_n3A_209 = arith.select %and3A, %add3A_208, %rem3A : i32
      %jit3A_210 = arith.constant 3 : i32
      %eq3A_211 = arith.constant 0 : i32
      %eq3A_212 = arith.cmpi eq, %jit3A_210, %eq3A_211 : i32
      %jit3A_213 = arith.constant 1 : i32
      %select_n3A_214 = arith.select %eq3A_212, %jit3A_213, %jit3A_210 : i32
      %rem3A_215 = arith.remsi %scan3A_199, %select_n3A_214 : i32
      %ne3A_216 = arith.constant 0 : i32
      %ne3A_217 = arith.cmpi ne, %rem3A_215, %ne3A_216 : i32
      %lt3A_218 = arith.constant 0 : i32
      %lt3A_219 = arith.cmpi slt, %rem3A_215, %lt3A_218 : i32
      %lt3A_220 = arith.constant 0 : i32
      %lt3A_221 = arith.cmpi slt, %select_n3A_214, %lt3A_220 : i32
      %ne3A_222 = arith.xori %lt3A_219, %lt3A_221 : i1
      %and3A_223 = arith.andi %ne3A_222, %ne3A_217 : i1
      %add3A_224 = arith.addi %rem3A_215, %select_n3A_214 : i32
      %select_n3A_225 = arith.select %and3A_223, %add3A_224, %rem3A_215 : i32
      %dma_wait3A_226 = arith.constant 0 : i32
      %dma_wait3A_227 = arith.constant 0 : i32
      %dma_wait3A_228 = tpu.memref_slice %arg8[%select_n3A_225, %dma_wait3A_226, %dma_wait3A_227] : memref<3x80x128xf32, #tpu.memory_space<vmem>> -> memref<1x80x128xf32, #tpu.memory_space<vmem>>
      %dma_wait3A_229 = tpu.memref_squeeze %dma_wait3A_228 : memref<1x80x128xf32, #tpu.memory_space<vmem>> -> memref<80x128xf32, #tpu.memory_space<vmem>>
      %dma_wait3A_230 = arith.constant 0 : i32
      %dma_wait3A_231 = tpu.memref_slice %arg6[%select_n3A_209, %dma_wait3A_230] : memref<4x80xi32, #tpu.memory_space<vmem>> -> memref<1x80xi32, #tpu.memory_space<vmem>>
      %dma_wait3A_232 = tpu.memref_squeeze %dma_wait3A_231 : memref<1x80xi32, #tpu.memory_space<vmem>> -> memref<80xi32, #tpu.memory_space<vmem>>
      %dma_wait3A_233 = arith.constant 0 : i32
      %dma_wait3A_234 = arith.constant 0 : i32
      %dma_wait3A_235 = tpu.memref_slice %arg2[%dma_wait3A_233, %dma_wait3A_234] : memref<10000x128xf32, #tpu.memory_space<hbm>> -> memref<10000x128xf32, #tpu.memory_space<hbm>>
      tpu.wait_indirect_dma semaphore(%arg10 : memref<!tpu.dma_semaphore, #tpu.memory_space<semaphore_mem>>) src(%dma_wait3A_235 : memref<10000x128xf32, #tpu.memory_space<hbm>>) dst(%dma_wait3A_229 : memref<80x128xf32, #tpu.memory_space<vmem>>)
      %ge3A = arith.constant 1 : i32
      %ge3A_236 = arith.cmpi sge, %scan3A_199, %ge3A : i32
      %convert_element_type3A_237 = arith.extui %ge3A_236 : i1 to i32
      %cond3A_238 = arith.constant 0 : i32
      %cond3A_239 = arith.cmpi ne, %convert_element_type3A_237, %cond3A_238 : i32
      scf.if %cond3A_239 {
        %sub3A = arith.constant 1 : i32
        %sub3A_296 = arith.subi %scan3A_199, %sub3A : i32
        %jit3A_297 = arith.constant 3 : i32
        %eq3A_298 = arith.constant 0 : i32
        %eq3A_299 = arith.cmpi eq, %jit3A_297, %eq3A_298 : i32
        %jit3A_300 = arith.constant 1 : i32
        %select_n3A_301 = arith.select %eq3A_299, %jit3A_300, %jit3A_297 : i32
        %rem3A_302 = arith.remsi %sub3A_296, %select_n3A_301 : i32
        %ne3A_303 = arith.constant 0 : i32
        %ne3A_304 = arith.cmpi ne, %rem3A_302, %ne3A_303 : i32
        %lt3A_305 = arith.constant 0 : i32
        %lt3A_306 = arith.cmpi slt, %rem3A_302, %lt3A_305 : i32
        %lt3A_307 = arith.constant 0 : i32
        %lt3A_308 = arith.cmpi slt, %select_n3A_301, %lt3A_307 : i32
        %ne3A_309 = arith.xori %lt3A_306, %lt3A_308 : i1
        %and3A_310 = arith.andi %ne3A_309, %ne3A_304 : i1
        %add3A_311 = arith.addi %rem3A_302, %select_n3A_301 : i32
        %select_n3A_312 = arith.select %and3A_310, %add3A_311, %rem3A_302 : i32
        %jit3A_313 = arith.constant 4 : i32
        %eq3A_314 = arith.constant 0 : i32
        %eq3A_315 = arith.cmpi eq, %jit3A_313, %eq3A_314 : i32
        %jit3A_316 = arith.constant 1 : i32
        %select_n3A_317 = arith.select %eq3A_315, %jit3A_316, %jit3A_313 : i32
        %rem3A_318 = arith.remsi %sub3A_296, %select_n3A_317 : i32
        %ne3A_319 = arith.constant 0 : i32
        %ne3A_320 = arith.cmpi ne, %rem3A_318, %ne3A_319 : i32
        %lt3A_321 = arith.constant 0 : i32
        %lt3A_322 = arith.cmpi slt, %rem3A_318, %lt3A_321 : i32
        %lt3A_323 = arith.constant 0 : i32
        %lt3A_324 = arith.cmpi slt, %select_n3A_317, %lt3A_323 : i32
        %ne3A_325 = arith.xori %lt3A_322, %lt3A_324 : i1
        %and3A_326 = arith.andi %ne3A_325, %ne3A_320 : i1
        %add3A_327 = arith.addi %rem3A_318, %select_n3A_317 : i32
        %select_n3A_328 = arith.select %and3A_326, %add3A_327, %rem3A_318 : i32
        %dma_wait3A_329 = arith.constant 0 : i32
        %dma_wait3A_330 = arith.constant 0 : i32
        %dma_wait3A_331 = tpu.memref_slice %arg8[%select_n3A_312, %dma_wait3A_329, %dma_wait3A_330] : memref<3x80x128xf32, #tpu.memory_space<vmem>> -> memref<1x80x128xf32, #tpu.memory_space<vmem>>
        %dma_wait3A_332 = tpu.memref_squeeze %dma_wait3A_331 : memref<1x80x128xf32, #tpu.memory_space<vmem>> -> memref<80x128xf32, #tpu.memory_space<vmem>>
        %dma_wait3A_333 = arith.constant 0 : i32
        %dma_wait3A_334 = tpu.memref_slice %arg7[%select_n3A_328, %dma_wait3A_333] : memref<4x80xi32, #tpu.memory_space<vmem>> -> memref<1x80xi32, #tpu.memory_space<vmem>>
        %dma_wait3A_335 = tpu.memref_squeeze %dma_wait3A_334 : memref<1x80xi32, #tpu.memory_space<vmem>> -> memref<80xi32, #tpu.memory_space<vmem>>
        %dma_wait3A_336 = arith.constant 0 : i32
        %dma_wait3A_337 = arith.constant 0 : i32
        %dma_wait3A_338 = tpu.memref_slice %arg9[%dma_wait3A_336, %dma_wait3A_337] : memref<10000x128xf32, #tpu.memory_space<vmem_shared>> -> memref<10000x128xf32, #tpu.memory_space<vmem_shared>>
        tpu.wait_indirect_dma semaphore(%arg12 : memref<!tpu.dma_semaphore, #tpu.memory_space<semaphore_mem>>) src(%dma_wait3A_332 : memref<80x128xf32, #tpu.memory_space<vmem>>) dst(%dma_wait3A_338 : memref<10000x128xf32, #tpu.memory_space<vmem_shared>>)
      } else {
      }
      %add3A_240 = arith.constant 2 : i32
      %add3A_241 = arith.addi %scan3A_199, %add3A_240 : i32
      %lt3A_242 = arith.constant 125 : i32
      %lt3A_243 = arith.cmpi slt, %add3A_241, %lt3A_242 : i32
      %convert_element_type3A_244 = arith.extui %lt3A_243 : i1 to i32
      %cond3A_245 = arith.constant 0 : i32
      %cond3A_246 = arith.cmpi ne, %convert_element_type3A_244, %cond3A_245 : i32
      scf.if %cond3A_246 {
        %add3A_296 = arith.constant 2 : i32
        %add3A_297 = arith.addi %scan3A_199, %add3A_296 : i32
        %jit3A_298 = arith.constant 4 : i32
        %eq3A_299 = arith.constant 0 : i32
        %eq3A_300 = arith.cmpi eq, %jit3A_298, %eq3A_299 : i32
        %jit3A_301 = arith.constant 1 : i32
        %select_n3A_302 = arith.select %eq3A_300, %jit3A_301, %jit3A_298 : i32
        %rem3A_303 = arith.remsi %add3A_297, %select_n3A_302 : i32
        %ne3A_304 = arith.constant 0 : i32
        %ne3A_305 = arith.cmpi ne, %rem3A_303, %ne3A_304 : i32
        %lt3A_306 = arith.constant 0 : i32
        %lt3A_307 = arith.cmpi slt, %rem3A_303, %lt3A_306 : i32
        %lt3A_308 = arith.constant 0 : i32
        %lt3A_309 = arith.cmpi slt, %select_n3A_302, %lt3A_308 : i32
        %ne3A_310 = arith.xori %lt3A_307, %lt3A_309 : i1
        %and3A_311 = arith.andi %ne3A_310, %ne3A_305 : i1
        %add3A_312 = arith.addi %rem3A_303, %select_n3A_302 : i32
        %select_n3A_313 = arith.select %and3A_311, %add3A_312, %rem3A_303 : i32
        %dma_wait3A_314 = arith.constant 0 : i32
        %dma_wait3A_315 = tpu.memref_slice %arg6[%select_n3A_313, %dma_wait3A_314] : memref<4x80xi32, #tpu.memory_space<vmem>> -> memref<1x80xi32, #tpu.memory_space<vmem>>
        %dma_wait3A_316 = tpu.memref_squeeze %dma_wait3A_315 : memref<1x80xi32, #tpu.memory_space<vmem>> -> memref<80xi32, #tpu.memory_space<vmem>>
        %dma_wait3A_317 = arith.constant 0 : i32
        %dma_wait3A_318 = tpu.memref_slice %arg3[%add3A, %add3A_297, %dma_wait3A_317] : memref<32x125x80xi32, #tpu.memory_space<hbm>> -> memref<1x1x80xi32, #tpu.memory_space<hbm>>
        %dma_wait3A_319 = tpu.memref_squeeze %dma_wait3A_318 : memref<1x1x80xi32, #tpu.memory_space<hbm>> -> memref<80xi32, #tpu.memory_space<hbm>>
        %dma_wait3A_320 = arith.constant 0 : i32
        %dma_wait3A_321 = tpu.memref_slice %arg6[%select_n3A_313, %dma_wait3A_320] : memref<4x80xi32, #tpu.memory_space<vmem>> -> memref<1x80xi32, #tpu.memory_space<vmem>>
        %dma_wait3A_322 = tpu.memref_squeeze %dma_wait3A_321 : memref<1x80xi32, #tpu.memory_space<vmem>> -> memref<80xi32, #tpu.memory_space<vmem>>
        %dma_wait3A_323 = arith.constant 0 : i32
        %dma_wait3A_324 = tpu.memref_slice %arg3[%add3A, %add3A_297, %dma_wait3A_323] : memref<32x125x80xi32, #tpu.memory_space<hbm>> -> memref<1x1x80xi32, #tpu.memory_space<hbm>>
        %dma_wait3A_325 = tpu.memref_squeeze %dma_wait3A_324 : memref<1x1x80xi32, #tpu.memory_space<hbm>> -> memref<80xi32, #tpu.memory_space<hbm>>
        tpu.wait_dma2 semaphore(%arg11 : memref<!tpu.dma_semaphore, #tpu.memory_space<semaphore_mem>>) src(%dma_wait3A_325 : memref<80xi32, #tpu.memory_space<hbm>>) dst(%dma_wait3A_322 : memref<80xi32, #tpu.memory_space<vmem>>)
        %dma_wait3A_326 = arith.constant 0 : i32
        %dma_wait3A_327 = tpu.memref_slice %arg7[%select_n3A_313, %dma_wait3A_326] : memref<4x80xi32, #tpu.memory_space<vmem>> -> memref<1x80xi32, #tpu.memory_space<vmem>>
        %dma_wait3A_328 = tpu.memref_squeeze %dma_wait3A_327 : memref<1x80xi32, #tpu.memory_space<vmem>> -> memref<80xi32, #tpu.memory_space<vmem>>
        %dma_wait3A_329 = arith.constant 0 : i32
        %dma_wait3A_330 = tpu.memref_slice %arg4[%add3A, %add3A_297, %dma_wait3A_329] : memref<32x125x80xi32, #tpu.memory_space<hbm>> -> memref<1x1x80xi32, #tpu.memory_space<hbm>>
        %dma_wait3A_331 = tpu.memref_squeeze %dma_wait3A_330 : memref<1x1x80xi32, #tpu.memory_space<hbm>> -> memref<80xi32, #tpu.memory_space<hbm>>
        %dma_wait3A_332 = arith.constant 0 : i32
        %dma_wait3A_333 = tpu.memref_slice %arg7[%select_n3A_313, %dma_wait3A_332] : memref<4x80xi32, #tpu.memory_space<vmem>> -> memref<1x80xi32, #tpu.memory_space<vmem>>
        %dma_wait3A_334 = tpu.memref_squeeze %dma_wait3A_333 : memref<1x80xi32, #tpu.memory_space<vmem>> -> memref<80xi32, #tpu.memory_space<vmem>>
        %dma_wait3A_335 = arith.constant 0 : i32
        %dma_wait3A_336 = tpu.memref_slice %arg4[%add3A, %add3A_297, %dma_wait3A_335] : memref<32x125x80xi32, #tpu.memory_space<hbm>> -> memref<1x1x80xi32, #tpu.memory_space<hbm>>
        %dma_wait3A_337 = tpu.memref_squeeze %dma_wait3A_336 : memref<1x1x80xi32, #tpu.memory_space<hbm>> -> memref<80xi32, #tpu.memory_space<hbm>>
        tpu.wait_dma2 semaphore(%arg11 : memref<!tpu.dma_semaphore, #tpu.memory_space<semaphore_mem>>) src(%dma_wait3A_337 : memref<80xi32, #tpu.memory_space<hbm>>) dst(%dma_wait3A_334 : memref<80xi32, #tpu.memory_space<vmem>>)
        %add3A_338 = arith.constant 2 : i32
        %add3A_339 = arith.addi %scan3A_199, %add3A_338 : i32
        %jit3A_340 = arith.constant 4 : i32
        %eq3A_341 = arith.constant 0 : i32
        %eq3A_342 = arith.cmpi eq, %jit3A_340, %eq3A_341 : i32
        %jit3A_343 = arith.constant 1 : i32
        %select_n3A_344 = arith.select %eq3A_342, %jit3A_343, %jit3A_340 : i32
        %rem3A_345 = arith.remsi %add3A_339, %select_n3A_344 : i32
        %ne3A_346 = arith.constant 0 : i32
        %ne3A_347 = arith.cmpi ne, %rem3A_345, %ne3A_346 : i32
        %lt3A_348 = arith.constant 0 : i32
        %lt3A_349 = arith.cmpi slt, %rem3A_345, %lt3A_348 : i32
        %lt3A_350 = arith.constant 0 : i32
        %lt3A_351 = arith.cmpi slt, %select_n3A_344, %lt3A_350 : i32
        %ne3A_352 = arith.xori %lt3A_349, %lt3A_351 : i1
        %and3A_353 = arith.andi %ne3A_352, %ne3A_347 : i1
        %add3A_354 = arith.addi %rem3A_345, %select_n3A_344 : i32
        %select_n3A_355 = arith.select %and3A_353, %add3A_354, %rem3A_345 : i32
        %jit3A_356 = arith.constant 3 : i32
        %eq3A_357 = arith.constant 0 : i32
        %eq3A_358 = arith.cmpi eq, %jit3A_356, %eq3A_357 : i32
        %jit3A_359 = arith.constant 1 : i32
        %select_n3A_360 = arith.select %eq3A_358, %jit3A_359, %jit3A_356 : i32
        %rem3A_361 = arith.remsi %add3A_339, %select_n3A_360 : i32
        %ne3A_362 = arith.constant 0 : i32
        %ne3A_363 = arith.cmpi ne, %rem3A_361, %ne3A_362 : i32
        %lt3A_364 = arith.constant 0 : i32
        %lt3A_365 = arith.cmpi slt, %rem3A_361, %lt3A_364 : i32
        %lt3A_366 = arith.constant 0 : i32
        %lt3A_367 = arith.cmpi slt, %select_n3A_360, %lt3A_366 : i32
        %ne3A_368 = arith.xori %lt3A_365, %lt3A_367 : i1
        %and3A_369 = arith.andi %ne3A_368, %ne3A_363 : i1
        %add3A_370 = arith.addi %rem3A_361, %select_n3A_360 : i32
        %select_n3A_371 = arith.select %and3A_369, %add3A_370, %rem3A_361 : i32
        %dma_start3A_372 = arith.constant 0 : i32
        %dma_start3A_373 = arith.constant 0 : i32
        %dma_start3A_374 = tpu.memref_slice %arg8[%select_n3A_371, %dma_start3A_372, %dma_start3A_373] : memref<3x80x128xf32, #tpu.memory_space<vmem>> -> memref<1x80x128xf32, #tpu.memory_space<vmem>>
        %dma_start3A_375 = tpu.memref_squeeze %dma_start3A_374 : memref<1x80x128xf32, #tpu.memory_space<vmem>> -> memref<80x128xf32, #tpu.memory_space<vmem>>
        %dma_start3A_376 = arith.constant 0 : i32
        %dma_start3A_377 = tpu.memref_slice %arg6[%select_n3A_355, %dma_start3A_376] : memref<4x80xi32, #tpu.memory_space<vmem>> -> memref<1x80xi32, #tpu.memory_space<vmem>>
        %dma_start3A_378 = tpu.memref_squeeze %dma_start3A_377 : memref<1x80xi32, #tpu.memory_space<vmem>> -> memref<80xi32, #tpu.memory_space<vmem>>
        %dma_start3A_379 = arith.constant 0 : i32
        %dma_start3A_380 = arith.constant 0 : i32
        %dma_start3A_381 = tpu.memref_slice %arg2[%dma_start3A_379, %dma_start3A_380] : memref<10000x128xf32, #tpu.memory_space<hbm>> -> memref<10000x128xf32, #tpu.memory_space<hbm>>
        tpu.enqueue_indirect_dma source(%dma_start3A_381 : memref<10000x128xf32, #tpu.memory_space<hbm>>) target(%dma_start3A_375 : memref<80x128xf32, #tpu.memory_space<vmem>>) offsets(%dma_start3A_378 : memref<80xi32, #tpu.memory_space<vmem>>) semaphore(%arg10 : memref<!tpu.dma_semaphore, #tpu.memory_space<semaphore_mem>>)
      } else {
      }
      %jit3A_247 = arith.constant 3 : i32
      %eq3A_248 = arith.constant 0 : i32
      %eq3A_249 = arith.cmpi eq, %jit3A_247, %eq3A_248 : i32
      %jit3A_250 = arith.constant 1 : i32
      %select_n3A_251 = arith.select %eq3A_249, %jit3A_250, %jit3A_247 : i32
      %rem3A_252 = arith.remsi %scan3A_199, %select_n3A_251 : i32
      %ne3A_253 = arith.constant 0 : i32
      %ne3A_254 = arith.cmpi ne, %rem3A_252, %ne3A_253 : i32
      %lt3A_255 = arith.constant 0 : i32
      %lt3A_256 = arith.cmpi slt, %rem3A_252, %lt3A_255 : i32
      %lt3A_257 = arith.constant 0 : i32
      %lt3A_258 = arith.cmpi slt, %select_n3A_251, %lt3A_257 : i32
      %ne3A_259 = arith.xori %lt3A_256, %lt3A_258 : i1
      %and3A_260 = arith.andi %ne3A_259, %ne3A_254 : i1
      %add3A_261 = arith.addi %rem3A_252, %select_n3A_251 : i32
      %select_n3A_262 = arith.select %and3A_260, %add3A_261, %rem3A_252 : i32
      %jit3A_263 = arith.constant 4 : i32
      %eq3A_264 = arith.constant 0 : i32
      %eq3A_265 = arith.cmpi eq, %jit3A_263, %eq3A_264 : i32
      %jit3A_266 = arith.constant 1 : i32
      %select_n3A_267 = arith.select %eq3A_265, %jit3A_266, %jit3A_263 : i32
      %rem3A_268 = arith.remsi %scan3A_199, %select_n3A_267 : i32
      %ne3A_269 = arith.constant 0 : i32
      %ne3A_270 = arith.cmpi ne, %rem3A_268, %ne3A_269 : i32
      %lt3A_271 = arith.constant 0 : i32
      %lt3A_272 = arith.cmpi slt, %rem3A_268, %lt3A_271 : i32
      %lt3A_273 = arith.constant 0 : i32
      %lt3A_274 = arith.cmpi slt, %select_n3A_267, %lt3A_273 : i32
      %ne3A_275 = arith.xori %lt3A_272, %lt3A_274 : i1
      %and3A_276 = arith.andi %ne3A_275, %ne3A_270 : i1
      %add3A_277 = arith.addi %rem3A_268, %select_n3A_267 : i32
      %select_n3A_278 = arith.select %and3A_276, %add3A_277, %rem3A_268 : i32
      %dma_start3A_279 = arith.constant 0 : i32
      %dma_start3A_280 = arith.constant 0 : i32
      %dma_start3A_281 = tpu.memref_slice %arg8[%select_n3A_262, %dma_start3A_279, %dma_start3A_280] : memref<3x80x128xf32, #tpu.memory_space<vmem>> -> memref<1x80x128xf32, #tpu.memory_space<vmem>>
      %dma_start3A_282 = tpu.memref_squeeze %dma_start3A_281 : memref<1x80x128xf32, #tpu.memory_space<vmem>> -> memref<80x128xf32, #tpu.memory_space<vmem>>
      %dma_start3A_283 = arith.constant 0 : i32
      %dma_start3A_284 = tpu.memref_slice %arg7[%select_n3A_278, %dma_start3A_283] : memref<4x80xi32, #tpu.memory_space<vmem>> -> memref<1x80xi32, #tpu.memory_space<vmem>>
      %dma_start3A_285 = tpu.memref_squeeze %dma_start3A_284 : memref<1x80xi32, #tpu.memory_space<vmem>> -> memref<80xi32, #tpu.memory_space<vmem>>
      %dma_start3A_286 = arith.constant 0 : i32
      %dma_start3A_287 = arith.constant 0 : i32
      %dma_start3A_288 = tpu.memref_slice %arg9[%dma_start3A_286, %dma_start3A_287] : memref<10000x128xf32, #tpu.memory_space<vmem_shared>> -> memref<10000x128xf32, #tpu.memory_space<vmem_shared>>
      tpu.enqueue_indirect_dma source(%dma_start3A_282 : memref<80x128xf32, #tpu.memory_space<vmem>>) target(%dma_start3A_288 : memref<10000x128xf32, #tpu.memory_space<vmem_shared>>) offsets(%dma_start3A_285 : memref<80xi32, #tpu.memory_space<vmem>>) semaphore(%arg12 : memref<!tpu.dma_semaphore, #tpu.memory_space<semaphore_mem>>) {add = true}
      %add3A_289 = arith.constant 3 : i32
      %add3A_290 = arith.addi %scan3A_199, %add3A_289 : i32
      %lt3A_291 = arith.constant 125 : i32
      %lt3A_292 = arith.cmpi slt, %add3A_290, %lt3A_291 : i32
      %convert_element_type3A_293 = arith.extui %lt3A_292 : i1 to i32
      %cond3A_294 = arith.constant 0 : i32
      %cond3A_295 = arith.cmpi ne, %convert_element_type3A_293, %cond3A_294 : i32
      scf.if %cond3A_295 {
        %add3A_296 = arith.constant 3 : i32
        %add3A_297 = arith.addi %scan3A_199, %add3A_296 : i32
        %jit3A_298 = arith.constant 4 : i32
        %eq3A_299 = arith.constant 0 : i32
        %eq3A_300 = arith.cmpi eq, %jit3A_298, %eq3A_299 : i32
        %jit3A_301 = arith.constant 1 : i32
        %select_n3A_302 = arith.select %eq3A_300, %jit3A_301, %jit3A_298 : i32
        %rem3A_303 = arith.remsi %add3A_297, %select_n3A_302 : i32
        %ne3A_304 = arith.constant 0 : i32
        %ne3A_305 = arith.cmpi ne, %rem3A_303, %ne3A_304 : i32
        %lt3A_306 = arith.constant 0 : i32
        %lt3A_307 = arith.cmpi slt, %rem3A_303, %lt3A_306 : i32
        %lt3A_308 = arith.constant 0 : i32
        %lt3A_309 = arith.cmpi slt, %select_n3A_302, %lt3A_308 : i32
        %ne3A_310 = arith.xori %lt3A_307, %lt3A_309 : i1
        %and3A_311 = arith.andi %ne3A_310, %ne3A_305 : i1
        %add3A_312 = arith.addi %rem3A_303, %select_n3A_302 : i32
        %select_n3A_313 = arith.select %and3A_311, %add3A_312, %rem3A_303 : i32
        %dma_start3A_314 = arith.constant 0 : i32
        %dma_start3A_315 = tpu.memref_slice %arg6[%select_n3A_313, %dma_start3A_314] : memref<4x80xi32, #tpu.memory_space<vmem>> -> memref<1x80xi32, #tpu.memory_space<vmem>>
        %dma_start3A_316 = tpu.memref_squeeze %dma_start3A_315 : memref<1x80xi32, #tpu.memory_space<vmem>> -> memref<80xi32, #tpu.memory_space<vmem>>
        %dma_start3A_317 = arith.constant 0 : i32
        %dma_start3A_318 = tpu.memref_slice %arg3[%add3A, %add3A_297, %dma_start3A_317] : memref<32x125x80xi32, #tpu.memory_space<hbm>> -> memref<1x1x80xi32, #tpu.memory_space<hbm>>
        %dma_start3A_319 = tpu.memref_squeeze %dma_start3A_318 : memref<1x1x80xi32, #tpu.memory_space<hbm>> -> memref<80xi32, #tpu.memory_space<hbm>>
        %dma_start3A_320 = arith.constant 0 : i32
        %dma_start3A_321 = tpu.memref_slice %arg6[%select_n3A_313, %dma_start3A_320] : memref<4x80xi32, #tpu.memory_space<vmem>> -> memref<1x80xi32, #tpu.memory_space<vmem>>
        %dma_start3A_322 = tpu.memref_squeeze %dma_start3A_321 : memref<1x80xi32, #tpu.memory_space<vmem>> -> memref<80xi32, #tpu.memory_space<vmem>>
        %dma_start3A_323 = arith.constant 0 : i32
        %dma_start3A_324 = tpu.memref_slice %arg3[%add3A, %add3A_297, %dma_start3A_323] : memref<32x125x80xi32, #tpu.memory_space<hbm>> -> memref<1x1x80xi32, #tpu.memory_space<hbm>>
        %dma_start3A_325 = tpu.memref_squeeze %dma_start3A_324 : memref<1x1x80xi32, #tpu.memory_space<hbm>> -> memref<80xi32, #tpu.memory_space<hbm>>
        tpu.enqueue_dma source(%dma_start3A_325 : memref<80xi32, #tpu.memory_space<hbm>>) target(%dma_start3A_322 : memref<80xi32, #tpu.memory_space<vmem>>) target_semaphore(%arg11 : memref<!tpu.dma_semaphore, #tpu.memory_space<semaphore_mem>>)
        %dma_start3A_326 = arith.constant 0 : i32
        %dma_start3A_327 = tpu.memref_slice %arg7[%select_n3A_313, %dma_start3A_326] : memref<4x80xi32, #tpu.memory_space<vmem>> -> memref<1x80xi32, #tpu.memory_space<vmem>>
        %dma_start3A_328 = tpu.memref_squeeze %dma_start3A_327 : memref<1x80xi32, #tpu.memory_space<vmem>> -> memref<80xi32, #tpu.memory_space<vmem>>
        %dma_start3A_329 = arith.constant 0 : i32
        %dma_start3A_330 = tpu.memref_slice %arg4[%add3A, %add3A_297, %dma_start3A_329] : memref<32x125x80xi32, #tpu.memory_space<hbm>> -> memref<1x1x80xi32, #tpu.memory_space<hbm>>
        %dma_start3A_331 = tpu.memref_squeeze %dma_start3A_330 : memref<1x1x80xi32, #tpu.memory_space<hbm>> -> memref<80xi32, #tpu.memory_space<hbm>>
        %dma_start3A_332 = arith.constant 0 : i32
        %dma_start3A_333 = tpu.memref_slice %arg7[%select_n3A_313, %dma_start3A_332] : memref<4x80xi32, #tpu.memory_space<vmem>> -> memref<1x80xi32, #tpu.memory_space<vmem>>
        %dma_start3A_334 = tpu.memref_squeeze %dma_start3A_333 : memref<1x80xi32, #tpu.memory_space<vmem>> -> memref<80xi32, #tpu.memory_space<vmem>>
        %dma_start3A_335 = arith.constant 0 : i32
        %dma_start3A_336 = tpu.memref_slice %arg4[%add3A, %add3A_297, %dma_start3A_335] : memref<32x125x80xi32, #tpu.memory_space<hbm>> -> memref<1x1x80xi32, #tpu.memory_space<hbm>>
        %dma_start3A_337 = tpu.memref_squeeze %dma_start3A_336 : memref<1x1x80xi32, #tpu.memory_space<hbm>> -> memref<80xi32, #tpu.memory_space<hbm>>
        tpu.enqueue_dma source(%dma_start3A_337 : memref<80xi32, #tpu.memory_space<hbm>>) target(%dma_start3A_334 : memref<80xi32, #tpu.memory_space<vmem>>) target_semaphore(%arg11 : memref<!tpu.dma_semaphore, #tpu.memory_space<semaphore_mem>>)
      } else {
      }
    }
    %scan3A_180 = arith.constant 125 : i32
    %dma_wait3A_181 = arith.constant 1 : i32
    %dma_wait3A_182 = arith.constant 0 : i32
    %dma_wait3A_183 = arith.constant 0 : i32
    %dma_wait3A_184 = arith.constant 0 : i32
    %dma_wait3A_185 = tpu.memref_slice %arg8[%dma_wait3A_181, %dma_wait3A_183, %dma_wait3A_184] : memref<3x80x128xf32, #tpu.memory_space<vmem>> -> memref<1x80x128xf32, #tpu.memory_space<vmem>>
    %dma_wait3A_186 = tpu.memref_squeeze %dma_wait3A_185 : memref<1x80x128xf32, #tpu.memory_space<vmem>> -> memref<80x128xf32, #tpu.memory_space<vmem>>
    %dma_wait3A_187 = arith.constant 0 : i32
    %dma_wait3A_188 = tpu.memref_slice %arg7[%dma_wait3A_182, %dma_wait3A_187] : memref<4x80xi32, #tpu.memory_space<vmem>> -> memref<1x80xi32, #tpu.memory_space<vmem>>
    %dma_wait3A_189 = tpu.memref_squeeze %dma_wait3A_188 : memref<1x80xi32, #tpu.memory_space<vmem>> -> memref<80xi32, #tpu.memory_space<vmem>>
    %dma_wait3A_190 = arith.constant 0 : i32
    %dma_wait3A_191 = arith.constant 0 : i32
    %dma_wait3A_192 = tpu.memref_slice %arg9[%dma_wait3A_190, %dma_wait3A_191] : memref<10000x128xf32, #tpu.memory_space<vmem_shared>> -> memref<10000x128xf32, #tpu.memory_space<vmem_shared>>
    tpu.wait_indirect_dma semaphore(%arg12 : memref<!tpu.dma_semaphore, #tpu.memory_space<semaphore_mem>>) src(%dma_wait3A_186 : memref<80x128xf32, #tpu.memory_space<vmem>>) dst(%dma_wait3A_192 : memref<10000x128xf32, #tpu.memory_space<vmem_shared>>)
    %barrier3A_193 = arith.constant 0 : index
    tpu.barrier barrier_id(%barrier3A_193)
    %lt3A_194 = arith.constant 10 : i32
    %lt3A_195 = arith.cmpi slt, %arg1, %lt3A_194 : i32
    %convert_element_type3A_196 = arith.extui %lt3A_195 : i1 to i32
    %cond3A_197 = arith.constant 0 : i32
    %cond3A_198 = arith.cmpi ne, %convert_element_type3A_196, %cond3A_197 : i32
    scf.if %cond3A_198 {
      %mul3A_199 = arith.constant 1000 : i32
      %mul3A_200 = arith.muli %arg1, %mul3A_199 : i32
      %mul3A_201 = arith.constant 1000 : i32
      %mul3A_202 = arith.muli %arg1, %mul3A_201 : i32
      "tpu.region"() ({
        %run_scoped3A = tpu.sem_alloc : memref<!tpu.dma_semaphore, #tpu.memory_space<semaphore_mem>>
        %dma_start3A_203 = arith.constant 0 : i32
        %dma_start3A_204 = tpu.memref_slice %arg5[%arg0, %mul3A_202, %dma_start3A_203] : memref<2x10000x128xf32, #tpu.memory_space<hbm>> -> memref<1x1000x128xf32, #tpu.memory_space<hbm>>
        %dma_start3A_205 = tpu.memref_squeeze %dma_start3A_204 : memref<1x1000x128xf32, #tpu.memory_space<hbm>> -> memref<1000x128xf32, #tpu.memory_space<hbm>>
        %dma_start3A_206 = arith.constant 0 : i32
        %dma_start3A_207 = tpu.memref_slice %arg9[%mul3A_200, %dma_start3A_206] : memref<10000x128xf32, #tpu.memory_space<vmem_shared>> -> memref<1000x128xf32, #tpu.memory_space<vmem_shared>>
        tpu.enqueue_dma source(%dma_start3A_207 : memref<1000x128xf32, #tpu.memory_space<vmem_shared>>) target(%dma_start3A_205 : memref<1000x128xf32, #tpu.memory_space<hbm>>) target_semaphore(%run_scoped3A : memref<!tpu.dma_semaphore, #tpu.memory_space<semaphore_mem>>)
        %dma_wait3A_208 = arith.constant 0 : i32
        %dma_wait3A_209 = tpu.memref_slice %arg5[%arg0, %mul3A_202, %dma_wait3A_208] : memref<2x10000x128xf32, #tpu.memory_space<hbm>> -> memref<1x1000x128xf32, #tpu.memory_space<hbm>>
        %dma_wait3A_210 = tpu.memref_squeeze %dma_wait3A_209 : memref<1x1000x128xf32, #tpu.memory_space<hbm>> -> memref<1000x128xf32, #tpu.memory_space<hbm>>
        %dma_wait3A_211 = arith.constant 0 : i32
        %dma_wait3A_212 = tpu.memref_slice %arg9[%mul3A_200, %dma_wait3A_211] : memref<10000x128xf32, #tpu.memory_space<vmem_shared>> -> memref<1000x128xf32, #tpu.memory_space<vmem_shared>>
        tpu.wait_dma2 semaphore(%run_scoped3A : memref<!tpu.dma_semaphore, #tpu.memory_space<semaphore_mem>>) src(%dma_wait3A_212 : memref<1000x128xf32, #tpu.memory_space<vmem_shared>>) dst(%dma_wait3A_210 : memref<1000x128xf32, #tpu.memory_space<hbm>>)
        tpu.yield
      }) : () -> ()
    } else {
    }
    return
  }
}

module attributes {stable_mosaic.version = 14 : i64} {
  func.func @_sum_body(%arg0: i32, %arg1: memref<2x1000x128xf32, #tpu.memory_space<vmem>>, %arg2: memref<1000x128xf32, #tpu.memory_space<vmem>>) attributes {dimension_semantics = [#tpu.dimension_semantics<arbitrary>], iteration_bounds = array<i64: 10>, scalar_prefetch = 0 : i64, scratch_operands = 0 : i64, tpu.core_type = #tpu.core_type<tc>, window_params = [{transform_indices = @transform_0, window_bounds = array<i64: 2, 1000, 128>}, {transform_indices = @transform_1, window_bounds = array<i64: 1000, 128>}]} {
    %get3A = arith.constant 0 : index
    %get3A_0 = arith.constant 0 : index
    %get3A_1 = arith.constant 0 : index
    %get3A_2 = vector.load %arg1[%get3A, %get3A_0, %get3A_1] : memref<2x1000x128xf32, #tpu.memory_space<vmem>>, vector<1x1000x128xf32>
    %get3A_3 = vector.shape_cast %get3A_2 : vector<1x1000x128xf32> to vector<1000x128xf32>
    %get3A_4 = arith.constant 1 : index
    %get3A_5 = arith.constant 0 : index
    %get3A_6 = arith.constant 0 : index
    %get3A_7 = vector.load %arg1[%get3A_4, %get3A_5, %get3A_6] : memref<2x1000x128xf32, #tpu.memory_space<vmem>>, vector<1x1000x128xf32>
    %get3A_8 = vector.shape_cast %get3A_7 : vector<1x1000x128xf32> to vector<1000x128xf32>
    %add3A = arith.addf %get3A_3, %get3A_8 : vector<1000x128xf32>
    %swap3A = arith.constant 0 : index
    %swap3A_9 = arith.constant 0 : index
    %swap3A_10 = vector.load %arg2[%swap3A, %swap3A_9] : memref<1000x128xf32, #tpu.memory_space<vmem>>, vector<1000x128xf32>
    tpu.vector_store %arg2[%swap3A, %swap3A_9], %add3A {strides = array<i32>} : memref<1000x128xf32, #tpu.memory_space<vmem>>, vector<1000x128xf32>,
    return
  }
  func.func @transform_0(%arg0: i32) -> (i32, i32, i32) {
    %c0_i32 = arith.constant 0 : i32
    %c0_i32_0 = arith.constant 0 : i32
    %c0_i32_1 = arith.constant 0 : i32
    return %c0_i32, %arg0, %c0_i32_0 : i32, i32, i32
  }
  func.func @transform_1(%arg0: i32) -> (i32, i32) {
    %c0_i32 = arith.constant 0 : i32
    %c0_i32_0 = arith.constant 0 : i32
    return %arg0, %c0_i32 : i32, i32
  }
}

</mosaic_0001>

<sc_bundles>
// kernel: kernel.4.cloned.1.call-start
scs
__scs_entry_jumppad:
0x0: {  	(pc) =	sbr.rel $0x88, $3  }
0x1: {  	(tag) =	ssettag $0x0;
	lr =	simm.s32 $0x1  }
0x2: {  	[smem:$0x3F9F] =	sst lr;
	_ =	strace $0xD0000000  }
0x3: {  	_ = 	snop  }
0x4: {  	_ = 	snop  }
0x5: {  	_ = 	snop  }
0x6: {  	_ = 	snop  }
0x7: {  	_ = 	snop  }
__scs_overlays_trampoline_lowered:
0x8: {  	[smem:$0x3FAE] =	sst s0  }
0x9: {  	[smem:$0x3FAF] =	sst s1  }
0xa: {  	[smem:$0x3FB0] =	sst s2  }
0xb: {  	[smem:$0x3FB1] =	sst s3  }
0xc: {  	[smem:$0x3FB2] =	sst s4  }
0xd: {  	[smem:$0x3FB3] =	sst s5  }
0xe: {  	[smem:$0x3FB4] =	sst s6  }
0xf: {  	[smem:$0x3FB5] =	sst s7  }
0x10: {  	[smem:$0x3FB6] =	sst s8  }
0x11: {  	[smem:$0x3FB7] =	sst s9;
	s0 =	simm.s32 @!p0 $0x0  }
0x12: {  	s1 =	sld [smem:$0x3F9D];
	s0 =	simm.s32 @p0 $0x1  }
0x13: {  	[smem:$0x3FB8] =	sst s0;
	s0 =	simm.s32 @!p1 $0x0  }
0x14: {  	s2 =	sld [smem:$0x3F9C];
	s0 =	simm.s32 @p1 $0x1  }
0x15: {  	[smem:$0x3FB9] =	sst s0;
	s0 =	simm.s32 @!p2 $0x0  }
0x16: {  	s3 =	sld [smem:$0x3FDB];
	s0 =	simm.s32 @p2 $0x1  }
0x17: {  	s4 =	simm.s32 $0x1BF5;
	[smem:$0x3FBB] =	sst s0  }
0x18: {  	s0 =	sld [smem:$0x3F9E];
	_ =	swait.ge [sflag:s4], $0x0  }
0x19: {  	s7 =	sld [smem:$0x3F9F]  }
0x1a: {  	s8 =	sadd.s32 $0xFFFFE003, lr  }
0x1b: {  	s9 =	sadd.s32 $0xFFFFFEF7, lr;
	s5 =	simm.s32 $0xFFFFFFFF;
	p2 =	slt.u32 s8, $0xFFFFF086  }
0x1c: {  	p1 =	slt.u32 s9, $0xF7A;
	s5 =	simm.s32 @!p2 $0x0  }
0x1d: {  	s5 =	simm.s32 @p1 $0x1;
	p0 =	seq.s32 s7, s2  }
0x1e: {  	s7 =	smul.u32 @!p0 $0xF7A, s2;
	p2 =	seq.s32 @!p0 s5, $0x0  }
0x1f: {  	s9 =	smul.u32 $0xF7A, s1;
	s8 =	simm.s32 @!p0 $0x1BF5;
	p2 =	por !p2, p0  }
0x20: {  	[sflag:s8] =	ssyncset.s32 @!p0 $0xFFFFF086;
	s6 =	sadd.s32 @!p0 s3, s7;
	s7 =	simm.s32 @!p0 $0x108  }
0x21: {  	s3 =	sadd.s32 s3, s9;
	s6 =	sadd.s32 @!p0 $0x88, s6;
	s7 =	simm.s32 @p2 $0x1082  }
0x22: {  	[simem:s7], [sflag:s8] =	dma.local @!p0 [hbm:s6], $0xF7A  }
0x23: {  	s9 =	sor.u32 $0xD0000000, s2;
	s6 =	simm.s32 $0x108;
	_ =	swait.ge @!p0 [sflag:s8], $0x0  }
0x24: {  	s3 =	sadd.s32 $0x88, s3;
	s6 =	simm.s32 @!p1 $0x1082;
	[sflag:s4] =	ssyncset.s32 $0xFFFFF086  }
0x25: {  	[simem:s6], [sflag:s4] =	dma.local [hbm:s3], $0xF7A  }
0x26: {  	[smem:$0x3F9F] =	sst s1;
	(tag) =	ssettag s2;
	_ =	strace s9  }
0x27: {  	s1 =	sld [smem:$0x3FAF]  }
0x28: {  	s2 =	sld [smem:$0x3FB0]  }
0x29: {  	s4 =	sld [smem:$0x3FB2]  }
0x2a: {  	p0 =	seq.s32 s5, $0x0;
	s5 =	sld [smem:$0x3FB3]  }
0x2b: {  	s6 =	sld [smem:$0x3FB4]  }
0x2c: {  	s7 =	sld [smem:$0x3FB5]  }
0x2d: {  	s3 =	simm.s32 $0x108;
	s8 =	sld [smem:$0x3FB6]  }
0x2e: {  	s3 =	simm.s32 @!p0 $0x1082;
	s9 =	sld [smem:$0x3FB7]  }
0x2f: {  	lr =	sadd.s32 s0, s3;
	s0 =	sld [smem:$0x3FAE]  }
0x30: {  	s3 =	sld [smem:$0x3FB1]  }
0x31: {  	[smem:$0x3FBA] =	sst s10  }
0x32: {  	s10 =	sld [smem:$0x3FB8];
	_ =	sdelay $0x3  }
0x33: {  	p0 =	seq.s32 s10, $0x1;
	s10 =	sld [smem:$0x3FBA];
	_ =	sdelay $0x3  }
0x34: {  	[smem:$0x3FBA] =	sst s10  }
0x35: {  	s10 =	sld [smem:$0x3FB9];
	_ =	sdelay $0x3  }
0x36: {  	p1 =	seq.s32 s10, $0x1;
	s10 =	sld [smem:$0x3FBA];
	_ =	sdelay $0x3  }
0x37: {  	[smem:$0x3FBA] =	sst s10  }
0x38: {  	s10 =	sld [smem:$0x3FBB]  }
0x39: {  	_ = 	snop;
	(pc) =	sbr.ind lr, $3  }
0x3a: {  	_ = 	snop  }
0x3b: {  	_ = 	snop  }
0x3c: {  	p2 =	seq.s32 s10, $0x1;
	s10 =	sld [smem:$0x3FBA]  }
0x3d: {  	_ =	shalt  }
0x3e: {  	_ =	shalt  }
0x3f: {  	_ =	shalt  }
0x40: {  	_ =	shalt  }
0x41: {  	_ =	shalt  }
0x42: {  	_ =	shalt  }
0x43: {  	_ =	shalt  }
0x44: {  	_ =	shalt  }
0x45: {  	_ =	shalt  }
0x46: {  	_ =	shalt  }
0x47: {  	_ =	shalt  }
0x48: {  	_ =	shalt  }
0x49: {  	_ =	shalt  }
0x4a: {  	_ =	shalt  }
0x4b: {  	_ =	shalt  }
0x4c: {  	_ =	shalt  }
0x4d: {  	_ =	shalt  }
0x4e: {  	_ =	shalt  }
0x4f: {  	_ =	shalt  }
0x50: {  	_ =	shalt  }
0x51: {  	_ =	shalt  }
0x52: {  	_ =	shalt  }
0x53: {  	_ =	shalt  }
0x54: {  	_ =	shalt  }
0x55: {  	_ =	shalt  }
0x56: {  	_ =	shalt  }
0x57: {  	_ =	shalt  }
0x58: {  	_ =	shalt  }
0x59: {  	_ =	shalt  }
0x5a: {  	_ =	shalt  }
0x5b: {  	_ =	shalt  }
0x5c: {  	_ =	shalt  }
0x5d: {  	_ =	shalt  }
0x5e: {  	_ =	shalt  }
0x5f: {  	_ =	shalt  }
0x60: {  	_ =	shalt  }
0x61: {  	_ =	shalt  }
0x62: {  	_ =	shalt  }
0x63: {  	_ =	shalt  }
0x64: {  	_ =	shalt  }
0x65: {  	_ =	shalt  }
0x66: {  	_ =	shalt  }
0x67: {  	_ =	shalt  }
0x68: {  	_ =	shalt  }
0x69: {  	_ =	shalt  }
0x6a: {  	_ =	shalt  }
0x6b: {  	_ =	shalt  }
0x6c: {  	_ =	shalt  }
0x6d: {  	_ =	shalt  }
0x6e: {  	_ =	shalt  }
0x6f: {  	_ =	shalt  }
0x70: {  	_ =	shalt  }
0x71: {  	_ =	shalt  }
0x72: {  	_ =	shalt  }
0x73: {  	_ =	shalt  }
0x74: {  	_ =	shalt  }
0x75: {  	_ =	shalt  }
0x76: {  	_ =	shalt  }
0x77: {  	_ =	shalt  }
0x78: {  	_ =	shalt  }
0x79: {  	_ =	shalt  }
0x7a: {  	_ =	shalt  }
0x7b: {  	_ =	shalt  }
0x7c: {  	_ =	shalt  }
0x7d: {  	_ =	shalt  }
0x7e: {  	_ =	shalt  }
0x7f: {  	_ =	shalt  }
0x80: {  	_ =	shalt  }
0x81: {  	_ =	shalt  }
0x82: {  	_ =	shalt  }
0x83: {  	_ =	shalt  }
0x84: {  	_ =	shalt  }
0x85: {  	_ =	shalt  }
0x86: {  	_ =	shalt  }
0x87: {  	_ =	shalt  }
.Lfunc_end0:
.L_simem_size_0:
called_computation_lowered:
.L_overlay_start_0:
0x88: {  	s2 =	sld [smem:$0x3FD9]  }
0x89: {  	s3 =	sld [smem:$0x3FFE];
	_ =	sdelay $0x1  }
0x8a: {  	s1 =	srdreg.scid  }
0x8b: {  	s0 =	sand.u32 $0x1, s1  }
0x8c: {  	s17 =	sshll.u32 s0, $0xA;
	s2 =	sadd.s32 s3, s2  }
0x8d: {  	s2 =	sadd.s32 s2, s17  }
0x8e: {  	[smem:$0x3FC6] =	sst s2  }
0x8f: {  	_ = 	snop  }
0x90: {  	s2 =	sld [smem:$0x3FC9]  }
0x91: {  	s18 =	sld [smem:$0x3FD0];
	(tm) =	ssettm $0x1  }
0x92: {  	s4 =	sld [smem:$0x3FFB];
	_ =	sdelay $0x3  }
0x93: {  	_ =	strace s4  }
0x94: {  	s4 =	sld [smem:$0x3FFC];
	_ =	sdelay $0x3  }
0x95: {  	_ =	strace s4  }
0x96: {  	s4 =	sld [smem:$0x3FFD];
	_ =	sdelay $0x3  }
0x97: {  	_ =	strace s4  }
0x98: {  	_ =	strace $0x8FFFFFFF  }
0x99: {  	s19 =	sld [smem:$0x3FDB];
	_ =	sdelay $0x1  }
0x9a: {  	s5 =	simm.s32 $_scs_section_size  }
0x9b: {  	s6 =	simm.s32 $_size__tile_overlayer_lowered;
	s7 =	simm.s32 $_tile_overlayer_lowered  }
0x9c: {  	s22 =	simm.s32 $0x1BFF;
	s21 =	sshll.u32 s7, $0x1;
	s4 =	sadd.s32 s5, s19  }
0x9d: {  	s8 =	simm.s32 $0x0;
	s20 =	sshll.u32 s6, $0x1;
	s6 =	sadd.s32 s21, s4  }
0x9e: {  	[timem:s8], [sflag:s22] =	dma.local [hbm:s6], s20  }
0x9f: {  	_ =	swait.ge [sflag:s22], s20  }
0xa0: {  	s5 =	ssub.s32 $0x0, s20;
	[sflag:s22] =	ssyncset.done $0x0  }
0xa1: {  	[sflag:s22] =	ssyncadd.s32 s5;
	_ =	sdelay $0x1  }
0xa2: {  	s23 =	simm.s32 $0x1B8B  }
0xa3: {  	_ =	swait.ge [sflag:s23], $0x1  }
0xa4: {  	[sflag:s23] =	ssyncset.done $0x0  }
0xa5: {  	s25 =	simm.s32 $0x1B8E;
	s24 =	sld [smem:$0x3FFE];
	[sflag:s23] =	ssyncadd.s32 $0xFFFFFFFF  }
0xa6: {  	s26 =	simm.s32 $execute0_lowered;
	[smem:$0x3FD2] =	sst s25  }
0xa7: {  	s6 =	sshll.u32 s26, $0x1;
	_ =	strace $0x80000046;
	[dreg:$0x1] =	wrdreg $0xFFFFFFFF  }
0xa8: {  	s28 =	simm.s32 $_size_execute0_lowered;
	s4 =	sadd.s32 s4, s6;
	[dreg:$0x0] =	wrdreg $0x0  }
0xa9: {  	s6 =	sshll.u32 s28, $0x1;
	[dreg:$0x2] =	wrdreg s4  }
0xaa: {  	[dreg:$0x3] =	wrdreg s6  }
0xab: {  	[dreg:$0x4] =	wrdreg $0xC0  }
0xac: {  	_ =	task [dreg:s8], $0x5FFFF  }
0xad: {  	[dreg:$0x1] =	wrdreg $0xFFFFFFFF  }
0xae: {  	[dreg:$0x0] =	wrdreg $0x60  }
0xaf: {  	[dreg:$0x2] =	wrdreg s2  }
0xb0: {  	[dreg:$0x3] =	wrdreg s18  }
0xb1: {  	[dreg:$0x4] =	wrdreg s24  }
0xb2: {  	[dreg:$0x5] =	wrdreg $0x7C000  }
0xb3: {  	[dreg:$0x6] =	wrdreg $0x9  }
0xb4: {  	_ =	task.clear_ibuf [dreg:s8], $0x7FFFF;
	_ =	strace $0x90000046  }
0xb5: {  	s29 =	simm.s32 $0x9;
	_ =	strace $0x80000048  }
0xb6: {  	_ =	swait.ge [sflag:s29], $0x1  }
0xb7: {  	[sflag:s29] =	ssyncadd.s32 $0xFFFFFFFF  }
0xb8: {  	_ =	strace $0x90000048  }
0xb9: {  	_ =	sfence  }
0xba: {  	s30 =	sld [smem:$0x0];
	_ =	sdelay $0x2  }
0xbb: {  	s31 =	sshll.u32 s1, $0xD;
	s1 =	sshrl.u32 s1, $0x2  }
0xbc: {  	s3 =	sand.u32 $0x4000, s31;
	s1 =	sadd.s32 s1, s30  }
0xbd: {  	s0 =	sor.u32 s3, s0;
	s1 =	sshll.u32 s1, $0x11  }
0xbe: {  	s0 =	sor.u32 s1, s0  }
0xbf: {  	s0 =	sadd.s32 $0x8F2B, s0  }
0xc0: {  	[sflag:s0] =	ssyncadd.remote.s32 $0x1  }
0xc1: {  	_ =	sfence.sel $0xFFFF  }
0xc2: {  	[dreg:$0x0] =	wrdreg $0xFFFFFFFF;
	(pc) =	sbr.abs _section_cstart, $3  }
0xc3: {  	[dreg:$0x1] =	wrdreg $0xFFFFFFFF  }
0xc4: {  	_ =	task.clear_ibuf [dreg:s8], $0x2FFFF;
	_ =	strace $0x9FFFFFFF  }
0xc5: {  	(tm) =	ssettm $0x7FFFFFFF  }
tec
execute0_lowered:
.L_overlay_start_1:
0x0: {  	(tag) =	ssettag $0x1  }
0x1: {  	s0 =	rddreg [dreg:$0x0]  }
0x2: {  	s1 =	rddreg [dreg:$0x1]  }
0x3: {  	s4 =	rddreg [dreg:$0x2];
	s2 =	srdreg.scid  }
0x4: {  	s5 =	rddreg [dreg:$0x3];
	s10 =	stileid.u32;
	s6 =	simm.s32 $0x0  }
0x5: {  	s30 =	simm.s32 $0x400;
	s13 =	simm.s32 $0x50;
	s15 =	simm.s32 $0x2C00  }
0x6: {  	s2 =	sand.u32 $0x1, s2;
	s7 =	smul.u32 $0x1F400, s10;
	[smem:$0x7FF] =	sst s6  }
0x7: {  	s8 =	smul.u32 $0x7D000, s10;
	s20 =	sshll.u32 s10, $0xF;
	p0 =	sgt.u32 s10, $0x9  }
0x8: {  	s12 =	simm.s32 $0x2;
	s3 =	smul.u32 $0x138800, s2;
	_ =	strace $0x80000047  }
0x9: {  	s16 =	ssub.s32 $0x2, s2;
	s2 =	sshll.u32 s2, $0xE;
	s8 =	sshrl.u32 s8, $0x2  }
0xa: {  	s9 =	sshrl.u32 s16, $0x1;
	s3 =	sadd.s32 s7, s3;
	s7 =	sadd.s32 s8, s5  }
0xb: {  	s14 =	sor.u32 s2, s20;
	s9 =	ssub.s32 s16, s9;
	s8 =	sadd.s32 $0x2800, s7  }
0xc: {  	s24 =	sshrl.u32 s14, $0x3;
	s17 =	sadd.s32 $0x5000, s7;
	[dreg:$0x5] =	wrdreg s8  }
0xd: {  	s16 =	simm.s32 $0x1;
	s18 =	sadd.s32 $0x7800, s7;
	[dreg:$0x6] =	wrdreg s17  }
0xe: {  	s3 =	sshrl.u32 s3, $0x3;
	s19 =	sadd.s32 $0xA000, s7;
	[dreg:$0x7] =	wrdreg s18  }
0xf: {  	s11 =	sadd.s32 $0xC800, s7;
	s21 =	sadd.s32 $0xF000, s7;
	[dreg:$0x8] =	wrdreg s19  }
0x10: {  	s22 =	sadd.s32 $0x11800, s7;
	s23 =	sadd.s32 $0x14000, s7;
	[dreg:$0x9] =	wrdreg s11  }
0x11: {  	s25 =	sadd.s32 $0x16800, s7;
	s26 =	sor.u32 $0x10, s24;
	[dreg:$0xa] =	wrdreg s21  }
0x12: {  	s2 =	sor.u32 $0x20, s24;
	s31 =	sadd.s32 $0x19000, s7;
	[dreg:$0xb] =	wrdreg s22  }
0x13: {  	s28 =	sadd.s32 $0x1B800, s7;
	s29 =	sadd.s32 $0x1E000, s7;
	[dreg:$0xc] =	wrdreg s23  }
.Ltmp0:
0x14: {  	s3 =	sadd.s32 s3, s4;
	[dreg:$0xd] =	wrdreg s25;
	(pc) =	sbr.rel .LBB2_1-.Ltmp0, $4  }
0x15: {  	s18 =	sadd.s32 s1, s24;
	s19 =	sadd.s32 s4, s24;
	s20 =	sadd.s32 s1, s26  }
0x16: {  	s21 =	sadd.s32 s4, s26;
	s22 =	sadd.s32 s1, s2;
	s23 =	sadd.s32 s4, s2  }
0x17: {  	s25 =	smax.u32 s9, $0x1;
	[dreg:$0xe] =	wrdreg s31;
	s2 =	simm.s32 $0x80  }
0x18: {  	v0 =	vimm.f32 $0.0e+00;
	s11 =	simm.s32 $0x3;
	s24 =	sadd.s32 $0x10000, s3;
	s3 =	simm.s32 $0x0  }
.LBB2_11:
0x19: {  	_ =	swait.ge [sflag:s11], $0x2800  }
0x1a: {  	s8 =	stileid.u32;
	s9 =	sshrl.u32 @!p0 s7, $0x3;
	[sflag:s11] =	ssyncset.done $0x0  }
0x1b: {  	s3 =	sadd.s32 $0x1, s3;
	s8 =	sshll.u32 @!p0 s8, $0x6;
	[sflag:s11] =	ssyncadd.s32 $0xFFFFD800  }
0x1c: {  	p1 =	sne.s32 s3, s25;
	s8 =	sor.u32 @!p0 $0x1C04, s8;
	[bflag:$0x0] =	sbarrier.arrive $0xFFFF  }
0x1d: {  	[hbm:s24], [sflag:s8] =	dma.local @!p0 [spmem:s9], $0x3E80  }
.Ltmp1:
0x1e: {  	_ = 	snop;
	(pc) =	sbr.rel @!p1 .LBB2_12-.Ltmp1, $4  }
0x1f: {  	s8 =	simm.s32 @!p0 $0x4  }
0x20: {  	_ =	swait.ge @!p0 [sflag:s8], $0x3E80  }
0x21: {  	[sflag:s8] =	ssyncset.done @!p0 $0x0  }
0x22: {  	[sflag:s8] =	ssyncadd.s32 @!p0 $0xFFFFC180  }
.LBB2_1:
0x23: {  	s8 =	sand.u32 $0xFE00, s6  }
0x24: {  	s17 =	sand.u32 $0x70, s6;
	s31 =	sshrl.u32 s8, $0x2  }
0x25: {  	s8 =	simm.s32 $0x40;
	s31 =	sor.u32 s17, s31;
	s17 =	simm.s32 $0x0  }
.LBB2_2:
0x26: {  	p1 =	sne.s32 s8, $0x9FC0  }
0x27: {  	[tilespmem:s31+$0x400] =	vst v0;
	s17 =	sadd.s32 $0x10, s17;
	s31 =	smov.u32 s8;
	s8 =	sadd.s32 $0x40, s8  }
.Ltmp2:
0x28: {  	(pc) =	sbr.rel @p1 .LBB2_2-.Ltmp2, $4  }
0x29: {  	_ = 	snop  }
0x2a: {  	s31 =	sand.u32 $0xFE00, s31  }
0x2b: {  	s9 =	sand.u32 $0x70, s17;
	s31 =	sshrl.u32 s31, $0x2  }
0x2c: {  	s31 =	sor.u32 s9, s31  }
.Ltmp3:
0x2d: {  	(pc) =	sbr.rel @p0 .LBB2_5-.Ltmp3, $2  }
0x2e: {  	_ =	sdelay $0x2  }
0x2f: {  	[tilespmem:s31+$0x400] =	vst v0  }
0x30: {  	[spmem:s7] =	stream.linear.scatter [tilespmem:s30], [sflag:$0x3], $0x2800, $0x38;
	[tilespmem:$0x1B480] =	vst v63  }
0x31: {  	s8 =	rddreg [dreg:$0x5]  }
0x32: {  	[spmem:s8] =	stream.linear.scatter [tilespmem:s30], [sflag:$0x3], $0x2800, $0x38;
	[tilespmem:$0x1B480] =	vst v63  }
0x33: {  	s17 =	rddreg [dreg:$0x6]  }
0x34: {  	[spmem:s17] =	stream.linear.scatter [tilespmem:s30], [sflag:$0x3], $0x2800, $0x38;
	[tilespmem:$0x1B480] =	vst v63  }
0x35: {  	s26 =	rddreg [dreg:$0x7]  }
0x36: {  	[spmem:s26] =	stream.linear.scatter [tilespmem:s30], [sflag:$0x3], $0x2800, $0x38;
	[tilespmem:$0x1B480] =	vst v63  }
0x37: {  	s31 =	rddreg [dreg:$0x8]  }
0x38: {  	[spmem:s31] =	stream.linear.scatter [tilespmem:s30], [sflag:$0x3], $0x2800, $0x38;
	[tilespmem:$0x1B480] =	vst v63  }
0x39: {  	s9 =	rddreg [dreg:$0x9]  }
0x3a: {  	[spmem:s9] =	stream.linear.scatter [tilespmem:s30], [sflag:$0x3], $0x2800, $0x38;
	[tilespmem:$0x1B480] =	vst v63  }
0x3b: {  	s10 =	rddreg [dreg:$0xa]  }
0x3c: {  	[spmem:s10] =	stream.linear.scatter [tilespmem:s30], [sflag:$0x3], $0x2800, $0x38;
	[tilespmem:$0x1B480] =	vst v63  }
0x3d: {  	s17 =	rddreg [dreg:$0xb]  }
0x3e: {  	[spmem:s17] =	stream.linear.scatter [tilespmem:s30], [sflag:$0x3], $0x2800, $0x38;
	[tilespmem:$0x1B480] =	vst v63  }
0x3f: {  	s26 =	rddreg [dreg:$0xc]  }
0x40: {  	[spmem:s26] =	stream.linear.scatter [tilespmem:s30], [sflag:$0x3], $0x2800, $0x38;
	[tilespmem:$0x1B480] =	vst v63  }
0x41: {  	s31 =	rddreg [dreg:$0xd]  }
0x42: {  	[spmem:s31] =	stream.linear.scatter [tilespmem:s30], [sflag:$0x3], $0x2800, $0x38;
	[tilespmem:$0x1B480] =	vst v63  }
0x43: {  	s9 =	rddreg [dreg:$0xe]  }
0x44: {  	[spmem:s9] =	stream.linear.scatter [tilespmem:s30], [sflag:$0x3], $0x2800, $0x38;
	[tilespmem:$0x1B480] =	vst v63  }
0x45: {  	_ = 	snop  }
0x46: {  	[spmem:s28] =	stream.linear.scatter [tilespmem:s30], [sflag:$0x3], $0x2800, $0x38;
	[tilespmem:$0x1B480] =	vst v63  }
0x47: {  	_ = 	snop  }
0x48: {  	[spmem:s29] =	stream.linear.scatter [tilespmem:s30], [sflag:$0x3], $0x1400, $0x38;
	[tilespmem:$0x1B480] =	vst v63  }
0x49: {  	_ = 	snop  }
0x4a: {  	[tilespmem:s6], [sflag:$0x2] =	stream.linear.gather [hbm4b:s18+s6], $0x80, $0x38;
	[tilespmem:$0x1B480] =	vst v63  }
0x4b: {  	s10 =	simm.s32 $0x200  }
0x4c: {  	[tilespmem:s10], [sflag:$0x2] =	stream.linear.gather [hbm4b:s19+s6], $0x80, $0x38;
	[tilespmem:$0x1B480] =	vst v63  }
0x4d: {  	_ = 	snop  }
0x4e: {  	[tilespmem:s2], [sflag:$0x2] =	stream.linear.gather [hbm4b:s20+s6], $0x80, $0x38;
	[tilespmem:$0x1B480] =	vst v63  }
0x4f: {  	s17 =	simm.s32 $0x280  }
0x50: {  	[tilespmem:s17], [sflag:$0x2] =	stream.linear.gather [hbm4b:s21+s6], $0x80, $0x38;
	[tilespmem:$0x1B480] =	vst v63  }
0x51: {  	s26 =	simm.s32 $0x100  }
0x52: {  	[tilespmem:s26], [sflag:$0x2] =	stream.linear.gather [hbm4b:s22+s6], $0x80, $0x38;
	[tilespmem:$0x1B480] =	vst v63  }
0x53: {  	s31 =	simm.s32 $0x300  }
0x54: {  	[tilespmem:s31], [sflag:$0x2] =	stream.linear.gather [hbm4b:s23+s6], $0x80, $0x38;
	[tilespmem:$0x1B480] =	vst v63  }
0x55: {  	_ =	swait.ge [sflag:s11], $0x2800  }
0x56: {  	[sflag:s11] =	ssyncset.done $0x0  }
0x57: {  	[sflag:s11] =	ssyncadd.s32 $0xFFFFD800  }
0x58: {  	_ =	swait.ge [sflag:s11], $0x2800  }
0x59: {  	[sflag:s11] =	ssyncset.done $0x0  }
0x5a: {  	[sflag:s11] =	ssyncadd.s32 $0xFFFFD800  }
0x5b: {  	_ =	swait.ge [sflag:s11], $0x2800  }
0x5c: {  	[sflag:s11] =	ssyncset.done $0x0  }
0x5d: {  	[sflag:s11] =	ssyncadd.s32 $0xFFFFD800  }
0x5e: {  	_ =	swait.ge [sflag:s11], $0x2800  }
0x5f: {  	[sflag:s11] =	ssyncset.done $0x0  }
0x60: {  	[sflag:s11] =	ssyncadd.s32 $0xFFFFD800  }
0x61: {  	_ =	swait.ge [sflag:s11], $0x2800  }
0x62: {  	[sflag:s11] =	ssyncset.done $0x0  }
0x63: {  	[sflag:s11] =	ssyncadd.s32 $0xFFFFD800  }
0x64: {  	_ =	swait.ge [sflag:s11], $0x2800  }
0x65: {  	[sflag:s11] =	ssyncset.done $0x0  }
0x66: {  	[sflag:s11] =	ssyncadd.s32 $0xFFFFD800  }
0x67: {  	_ =	swait.ge [sflag:s11], $0x2800  }
0x68: {  	[sflag:s11] =	ssyncset.done $0x0  }
0x69: {  	[sflag:s11] =	ssyncadd.s32 $0xFFFFD800  }
0x6a: {  	_ =	swait.ge [sflag:s11], $0x2800  }
0x6b: {  	[sflag:s11] =	ssyncset.done $0x0  }
0x6c: {  	[sflag:s11] =	ssyncadd.s32 $0xFFFFD800  }
0x6d: {  	_ =	swait.ge [sflag:s11], $0x2800  }
0x6e: {  	[sflag:s11] =	ssyncset.done $0x0  }
0x6f: {  	[sflag:s11] =	ssyncadd.s32 $0xFFFFD800  }
0x70: {  	_ =	swait.ge [sflag:s11], $0x2800  }
0x71: {  	[sflag:s11] =	ssyncset.done $0x0  }
0x72: {  	[sflag:s11] =	ssyncadd.s32 $0xFFFFD800  }
0x73: {  	_ =	swait.ge [sflag:s11], $0x2800  }
0x74: {  	[sflag:s11] =	ssyncset.done $0x0  }
0x75: {  	[sflag:s11] =	ssyncadd.s32 $0xFFFFD800  }
0x76: {  	_ =	swait.ge [sflag:s11], $0x2800  }
.Ltmp4:
0x77: {  	[sflag:s11] =	ssyncset.done $0x0;
	(pc) =	sbr.rel .LBB2_6-.Ltmp4, $4  }
0x78: {  	[sflag:s11] =	ssyncadd.s32 $0xFFFFD800  }
0x79: {  	_ =	swait.ge [sflag:s11], $0x1400  }
0x7a: {  	[sflag:s11] =	ssyncset.done $0x0  }
0x7b: {  	[sflag:s11] =	ssyncadd.s32 $0xFFFFEC00  }
.LBB2_5:
0x7c: {  	[tilespmem:s6], [sflag:$0x2] =	stream.linear.gather [hbm4b:s18+s6], $0x80, $0x38;
	[tilespmem:$0x1B480] =	vst v63  }
0x7d: {  	s8 =	simm.s32 $0x200  }
0x7e: {  	[tilespmem:s8], [sflag:$0x2] =	stream.linear.gather [hbm4b:s19+s6], $0x80, $0x38;
	[tilespmem:$0x1B480] =	vst v63  }
0x7f: {  	_ = 	snop  }
0x80: {  	[tilespmem:s2], [sflag:$0x2] =	stream.linear.gather [hbm4b:s20+s6], $0x80, $0x38;
	[tilespmem:$0x1B480] =	vst v63  }
0x81: {  	s17 =	simm.s32 $0x280  }
0x82: {  	[tilespmem:s17], [sflag:$0x2] =	stream.linear.gather [hbm4b:s21+s6], $0x80, $0x38;
	[tilespmem:$0x1B480] =	vst v63  }
0x83: {  	s26 =	simm.s32 $0x100  }
0x84: {  	[tilespmem:s26], [sflag:$0x2] =	stream.linear.gather [hbm4b:s22+s6], $0x80, $0x38;
	[tilespmem:$0x1B480] =	vst v63  }
0x85: {  	s31 =	simm.s32 $0x300  }
0x86: {  	[tilespmem:s31], [sflag:$0x2] =	stream.linear.gather [hbm4b:s23+s6], $0x80, $0x38;
	[tilespmem:$0x1B480] =	vst v63  }
.LBB2_6:
0x87: {  	_ =	swait.ge [sflag:s12], $0x80  }
0x88: {  	[sflag:s12] =	ssyncset.done $0x0  }
0x89: {  	[sflag:s12] =	ssyncadd.s32 $0xFFFFFF80  }
0x8a: {  	_ =	swait.ge [sflag:s12], $0x80  }
0x8b: {  	[sflag:s12] =	ssyncset.done $0x0  }
0x8c: {  	s17 =	simm.s32 $0x0;
	[sflag:s12] =	ssyncadd.s32 $0xFFFFFF80  }
0x8d: {  	[tilespmem:s30], [sflag:$0x1] =	stream.indirect.gather [hbm4b:s0+s13], $0x80, s17, s13, $0xb8;
	[tilespmem:$0x1B480] =	vst v63  }
0x8e: {  	_ =	swait.ge [sflag:s12], $0x80  }
0x8f: {  	[sflag:s12] =	ssyncset.done $0x0  }
0x90: {  	[sflag:s12] =	ssyncadd.s32 $0xFFFFFF80  }
0x91: {  	_ =	swait.ge [sflag:s12], $0x80  }
.Ltmp5:
0x92: {  	[sflag:s12] =	ssyncset.done $0x0;
	(pc) =	sbr.rel .LBB2_7-.Ltmp5, $4  }
0x93: {  	[sflag:s12] =	ssyncadd.s32 $0xFFFFFF80  }
0x94: {  	[tilespmem:s15], [sflag:$0x1] =	stream.indirect.gather [hbm4b:s0+s13], $0x80, s2, s13, $0xb8;
	[tilespmem:$0x1B480] =	vst v63  }
0x95: {  	[bflag:$0x0] =	sbarrier.arrive $0xFFFF  }
0x96: {  	s31 =	simm.s32 $0x0  }
.LBB2_9:
0x97: {  	s9 =	sadd.s32 $0x2, s31  }
0x98: {  	s26 =	smul.u32 $0xAB, s9;
	_ =	sdelay $0x1  }
0x99: {  	s26 =	sshrl.u32 s26, $0x9  }
0x9a: {  	s26 =	sand.u32 $0x7F, s26  }
0x9b: {  	s26 =	smul.u32 $0x3, s26;
	_ =	sdelay $0x1  }
0x9c: {  	_ =	swait.ge [sflag:s12], $0x80;
	s9 =	ssub.s32 s9, s26  }
0x9d: {  	[sflag:s12] =	ssyncset.done $0x0;
	s9 =	sand.u32 $0xFF, s9  }
0x9e: {  	[sflag:s12] =	ssyncadd.s32 $0xFFFFFF80;
	s9 =	smul.u32 $0xA000, s9  }
0x9f: {  	_ =	swait.ge [sflag:s12], $0x80  }
0xa0: {  	s10 =	sadd.s32 $0x100, s17;
	[sflag:s12] =	ssyncset.done $0x0;
	s9 =	sshrl.u32 s9, $0x2  }
0xa1: {  	[sflag:s12] =	ssyncadd.s32 $0xFFFFFF80;
	s26 =	sand.u32 $0x180, s10;
	s9 =	sor.u32 $0x400, s9  }
0xa2: {  	[tilespmem:s9], [sflag:$0x1] =	stream.indirect.gather [hbm4b:s0+s13], $0x80, s26, s13, $0xb8;
	[tilespmem:$0x1B480] =	vst v63  }
0xa3: {  	s26 =	sand.u32 $0x180, s17  }
0xa4: {  	p1 =	sgt.u32 s31, $0x79;
	s9 =	sor.u32 $0x200, s26  }
0xa5: {  	[spmem:s5] =	stream.indirect.scatter.add.f32 [tilespmem:s8], [sflag:$0x3], $0x80, s9, s13, $0xb8;
	[tilespmem:$0x1B480] =	vst v63  }
0xa6: {  	s8 =	sadd.s32 @!p1 $0x180, s17  }
0xa7: {  	s9 =	sand.u32 @!p1 $0x7C00, s8  }
0xa8: {  	s26 =	sand.u32 @!p1 $0x380, s8;
	s9 =	sadd.s32 @!p1 s14, s9  }
0xa9: {  	s9 =	sor.u32 @!p1 s26, s9  }
0xaa: {  	s9 =	sshrl.u32 @!p1 s9, $0x3  }
0xab: {  	s10 =	simm.s32 @!p1 $0x0;
	s8 =	sand.u32 @!p1 $0x180, s8;
	s26 =	sadd.s32 @!p1 s1, s9  }
0xac: {  	[tilespmem:s8], [sflag:$0x2] =	stream.linear.gather @!p1 [hbm4b:s26+s10], $0x80, $0x38;
	[tilespmem:$0x1B480] =	vst v63  }
0xad: {  	s9 =	sadd.s32 @!p1 s4, s9;
	s8 =	sor.u32 @!p1 $0x200, s8  }
0xae: {  	[tilespmem:s8], [sflag:$0x2] =	stream.linear.gather @!p1 [hbm4b:s9+s10], $0x80, $0x38;
	[tilespmem:$0x1B480] =	vst v63  }
.LBB2_10:
0xaf: {  	s31 =	sadd.s32 $0x1, s31  }
0xb0: {  	p1 =	sne.s32 s31, $0x7D  }
.Ltmp6:
0xb1: {  	_ = 	snop;
	(pc) =	sbr.rel @!p1 .LBB2_11-.Ltmp6, $2  }
0xb2: {  	_ =	sdelay $0x2  }
0xb3: {  	s17 =	sadd.s32 $0x80, s17  }
.LBB2_7:
0xb4: {  	s8 =	smul.u32 $0xAB, s31;
	_ =	sdelay $0x1  }
0xb5: {  	s8 =	sshrl.u32 s8, $0x9  }
0xb6: {  	s8 =	sand.u32 $0x7F, s8  }
0xb7: {  	p1 =	seq.s32 s17, $0x0;
	s8 =	smul.u32 $0x3, s8  }
0xb8: {  	p2 =	slt.u32 @!p1 s31, $0x7B  }
0xb9: {  	_ =	swait.ge [sflag:s16], $0x2800;
	p2 =	por p1, p2;
	s8 =	ssub.s32 s31, s8  }
.Ltmp7:
0xba: {  	[sflag:s16] =	ssyncset.done $0x0;
	s8 =	sand.u32 $0xFF, s8;
	(pc) =	sbr.rel @p2 .LBB2_9-.Ltmp7, $4  }
0xbb: {  	s9 =	simm.s32 @!p1 $0x3;
	[sflag:s16] =	ssyncadd.s32 $0xFFFFD800;
	s8 =	smul.u32 $0xA000, s8  }
0xbc: {  	_ =	swait.ge @!p1 [sflag:s9], $0x2800  }
0xbd: {  	[sflag:s9] =	ssyncset.done @!p1 $0x0;
	s8 =	sshrl.u32 s8, $0x2  }
0xbe: {  	[sflag:s9] =	ssyncadd.s32 @!p1 $0xFFFFD800;
	s8 =	sor.u32 $0x400, s8  }
.Ltmp8:
0xbf: {  	(pc) =	sbr.rel .LBB2_10-.Ltmp8, $4  }
0xc0: {  	_ = 	snop  }
0xc1: {  	s9 =	sand.u32 $0x180, s17  }
0xc2: {  	s9 =	sor.u32 $0x200, s9  }
0xc3: {  	[spmem:s5] =	stream.indirect.scatter.add.f32 [tilespmem:s8], [sflag:$0x3], $0x80, s9, s13, $0xb8;
	[tilespmem:$0x1B480] =	vst v63  }
.LBB2_12:
0xc4: {  	_ =	sfence.sel $0x180000  }
0xc5: {  	[bflag:$0x0] =	sbarrier.arrive $0xFFFF  }
0xc6: {  	_ =	strace $0x90000047  }
0xc7: {  	s0 =	stileid.u32;
	[bflag:$0x2] =	sbarrier.arrive $0xFFFF  }
0xc8: {  	p0 =	sne.s32 s0, $0x0;
	s0 =	rddreg [dreg:$0x4]  }
0xc9: {  	s0 =	sadd.s32 @!p0 $0x100000, s0  }
0xca: {  	[sflag:s0] =	ssyncadd.tile.s32 @!p0 $0x1;
	_ =	shalt  }
.Lfunc_end2:
_tile_overlayer_lowered:
.L_overlay_start_2:
0xcb: {  	(tag) =	ssettag $0x2  }
0xcc: {  	s0 =	rddreg [dreg:$0x0];
	s2 =	stileid.u32  }
0xcd: {  	s1 =	rddreg [dreg:$0x1];
	p0 =	sne.s32 s2, $0x0  }
0xce: {  	s3 =	rddreg [dreg:$0x2];
	[bflag:$0x3] =	sbarrier.arrive $0xFFFF;
	s2 =	simm.s32 @!p0 $0x1C04  }
0xcf: {  	[timem:s3], [sflag:s2] =	dma.local @!p0 [hbm:s0], s1  }
0xd0: {  	s0 =	simm.s32 @!p0 $0x4  }
0xd1: {  	_ =	swait.ge @!p0 [sflag:s0], s1  }
0xd2: {  	s1 =	ssub.s32 @!p0 $0x0, s1;
	[sflag:s0] =	ssyncset.done @!p0 $0x0  }
0xd3: {  	[sflag:s0] =	ssyncadd.s32 @!p0 s1  }
0xd4: {  	[bflag:$0x3] =	sbarrier.arrive $0xFFFF  }
0xd5: {  	_ =	shalt  }

</sc_bundles>
